<compile_context>
chip_gen: v7x
topology: tpu7x:2x2x1
jax: 0.10.2.dev20260603
libtpu: 0.0.44.dev20260713+nightly
codegen_flags: <defaults>
</compile_context>

<pallas_src>
import functools
import jax
import jax.numpy as jnp
import numpy as np
from jax import lax
from jax.experimental import pallas as pl
from jax.experimental.pallas import tpu as pltpu
from jax.experimental.pallas import tpu_sc as plsc

N_PT = 512
RAD = 0.2
N_SMP = 32
EPSV = 1e-5
TS = 512


def _fps_body(xs_ref, ys_ref, zs_ref, far0_ref, ce_ref, cx_ref, cy_ref, cz_ref):
    B, N = xs_ref.shape
    xs, ys, zs = xs_ref[...], ys_ref[...], zs_ref[...]
    lane = jax.lax.broadcasted_iota(jnp.int32, (B, N), 1)
    slot = jax.lax.broadcasted_iota(jnp.int32, (B, N_PT), 1)

    def body(i, st):
        d, far, ce, cx, cy, cz = st
        mask = lane == far
        cxi = jnp.sum(jnp.where(mask, xs, 0.0), axis=1, keepdims=True)
        cyi = jnp.sum(jnp.where(mask, ys, 0.0), axis=1, keepdims=True)
        czi = jnp.sum(jnp.where(mask, zs, 0.0), axis=1, keepdims=True)
        dx = xs - cxi
        dy = ys - cyi
        dz = zs - czi
        dd = dx * dx + dy * dy + dz * dz
        d = jnp.minimum(d, dd)
        m = jnp.max(d, axis=1, keepdims=True)
        nfar = jnp.min(jnp.where(d == m, lane, N), axis=1, keepdims=True)
        at = slot == i
        ce = jnp.where(at, far, ce)
        cx = jnp.where(at, cxi, cx)
        cy = jnp.where(at, cyi, cy)
        cz = jnp.where(at, czi, cz)
        return (d, nfar, ce, cx, cy, cz)

    d0 = jnp.full((B, N), 1e10, jnp.float32)
    far0 = far0_ref[...][:, :1]
    z512i = jnp.zeros((B, N_PT), jnp.int32)
    z512f = jnp.zeros((B, N_PT), jnp.float32)
    _, _, ce, cx, cy, cz = jax.lax.fori_loop(
        0, N_PT, body, (d0, far0, z512i, z512f, z512f, z512f))
    ce_ref[...] = ce
    cx_ref[...] = cx
    cy_ref[...] = cy
    cz_ref[...] = cz


def _fps_pallas(xyz):
    B, N, _ = xyz.shape
    far0 = jax.random.randint(jax.random.key(42), (B,), 0, N).astype(jnp.int32)
    far0 = jnp.broadcast_to(far0[:, None], (B, 128))
    xT = xyz.transpose(2, 0, 1)
    ce, cx, cy, cz = pl.pallas_call(
        _fps_body,
        out_shape=[
            jax.ShapeDtypeStruct((B, N_PT), jnp.int32),
            jax.ShapeDtypeStruct((B, N_PT), jnp.float32),
            jax.ShapeDtypeStruct((B, N_PT), jnp.float32),
            jax.ShapeDtypeStruct((B, N_PT), jnp.float32),
        ],
    )(xT[0], xT[1], xT[2], far0)
    new_xyz = jnp.stack([cx, cy, cz], axis=-1)
    nxT = jnp.stack([cx, cy, cz], axis=0).reshape(3, B * N_PT)
    return ce, new_xyz, nxT





def _kd_body(nx_ref, px_ref, a2_ref, b2_ref, o_ref):
    c = nx_ref[...]
    p = px_ref[...]
    a2 = a2_ref[...][:, :1]
    b2 = b2_ref[...][0:1, :]
    ab = jax.lax.dot_general(c, p, (((0,), (0,)), ((), ())),
                             preferred_element_type=jnp.float32)
    d = jnp.sqrt(jnp.maximum(a2 + b2 - 2.0 * ab, 0.0))
    bits = jax.lax.bitcast_convert_type(d, jnp.int32)

    def bis(_, st):
        lo, hi = st
        mid = jax.lax.shift_right_arithmetic(lo + hi, 1)
        cnt = jnp.sum((bits <= mid).astype(jnp.int32), axis=1, keepdims=True)
        ge = cnt >= N_SMP
        return (jnp.where(ge, lo, mid), jnp.where(ge, mid, hi))

    lo0 = jnp.zeros((N_PT, 1), jnp.int32)
    hi0 = jnp.full((N_PT, 1), 0x40000000, jnp.int32)
    _, hi = jax.lax.fori_loop(0, 30, bis, (lo0, hi0))
    t32 = jax.lax.bitcast_convert_type(hi, jnp.float32)
    thr = jnp.minimum(t32, RAD)
    selm = d <= thr
    sel = jnp.where(selm, 1.0, 0.0)
    rowi = jax.lax.broadcasted_iota(jnp.int32, (2048, 128), 0)
    coli = jax.lax.broadcasted_iota(jnp.int32, (2048, 128), 1)
    pf = [jnp.dot(sel, jnp.where(rowi <= kb * 128 + coli, 1.0, 0.0),
                  preferred_element_type=jnp.float32) for kb in range(16)]
    pf = jnp.concatenate(pf, axis=1).astype(jnp.int32)
    pc = jnp.where(selm & (pf <= N_SMP), pf, 0)
    gmin = jnp.min(d, axis=1, keepdims=True)
    lane = jax.lax.broadcasted_iota(jnp.int32, d.shape, 1)
    cen = jnp.min(jnp.where(d == gmin, lane, d.shape[1]), axis=1,
                  keepdims=True)
    cols = []
    for i in range(1, N_SMP + 1):
        gi = jnp.max(jnp.where(pc == i, lane, -1), axis=1, keepdims=True)
        cols.append(jnp.where(gi < 0, cen, gi))
    cols.append(jnp.zeros((N_PT, 128 - N_SMP), jnp.int32))
    o_ref[...] = jnp.concatenate(cols, axis=1)


def _kd(nx8, xyz8, a2c, b2r, B):
    return pl.pallas_call(
        _kd_body,
        grid=(B,),
        in_specs=[
            pl.BlockSpec((8, N_PT), lambda b: (0, b)),
            pl.BlockSpec((8, 2048), lambda b: (0, b)),
            pl.BlockSpec((N_PT, 128), lambda b: (b, 0)),
            pl.BlockSpec((8, 2048), lambda b: (0, b)),
        ],
        out_specs=pl.BlockSpec((N_PT, 128), lambda b: (b, 0)),
        out_shape=jax.ShapeDtypeStruct((B * N_PT, 128), jnp.int32),
    )(nx8, xyz8, a2c, b2r)



_GCH = 128


def _sc_gather(fidx, ptab, S):
    mesh = plsc.VectorSubcoreMesh(core_axis_name="c", subcore_axis_name="s")
    NC, NS = 2, 16
    NW = NC * NS
    rows_w = S // NW
    nch = rows_w // _GCH
    CW = ptab.shape[1]

    @functools.partial(
        pl.kernel,
        mesh=mesh,
        out_type=jax.ShapeDtypeStruct((S, CW), jnp.float32),
        scratch_types=[
            pltpu.VMEM((_GCH,), jnp.int32),
            pltpu.VMEM((_GCH,), jnp.int32),
            pltpu.VMEM((_GCH, CW), jnp.float32),
            pltpu.VMEM((_GCH, CW), jnp.float32),
            pltpu.SemaphoreType.DMA,
            pltpu.SemaphoreType.DMA,
        ],
    )
    def gk(fidx_h, ptab_h, pout_h, idx0, idx1, pb0, pb1, sp0, sp1):
        wid = lax.axis_index("s") * NC + lax.axis_index("c")
        base_w = wid * rows_w

        def start(b, idx_v, pb, sem):
            pltpu.sync_copy(fidx_h.at[pl.ds(b, _GCH)], idx_v)
            return pltpu.async_copy(ptab_h.at[idx_v], pb, sem)

        def drain(b, pb, cp):
            cp.wait()
            pltpu.sync_copy(pb, pout_h.at[pl.ds(b, _GCH)])

        def outer(g, _):
            b0 = base_w + g * (2 * _GCH)
            b1 = b0 + _GCH
            c0 = start(b0, idx0, pb0, sp0)
            c1 = start(b1, idx1, pb1, sp1)
            drain(b0, pb0, c0)
            drain(b1, pb1, c1)
            return 0

        lax.fori_loop(0, nch // 2, outer, 0)

    return gk(fidx, ptab)



def _k1_body(tg_ref, nx_ref, w_ref, wx_ref, y_ref, st_ref):
    i = pl.program_id(0)
    y = jnp.dot(tg_ref[...], w_ref[...], preferred_element_type=jnp.float32)
    t128 = jax.lax.dot_general(
        nx_ref[...], wx_ref[...], (((0,), (0,)), ((), ())),
        preferred_element_type=jnp.float32)
    g_of_s = jax.lax.broadcasted_iota(jnp.int32, (TS, 128), 0) // N_SMP \
        + (i % 8) * 16
    e = (g_of_s == jax.lax.broadcasted_iota(jnp.int32, (TS, 128), 1)
         ).astype(jnp.float32)
    y -= jnp.dot(e, t128, preferred_element_type=jnp.float32)
    y_ref[...] = y.astype(jnp.bfloat16)
    s = jnp.sum(y, axis=0, keepdims=True)
    q = jnp.sum(y * y, axis=0, keepdims=True)
    part = jnp.concatenate([s, q, jnp.zeros((6, y.shape[1]), jnp.float32)], axis=0)

    @pl.when(i == 0)
    def _():
        st_ref[...] = jnp.zeros_like(st_ref)

    st_ref[...] += part


def _k2_body(y_ref, pr_ref, w_ref, o_ref, st_ref):
    i = pl.program_id(0)
    scale = pr_ref[0:1, :]
    shift = pr_ref[1:2, :]
    z = jnp.maximum(y_ref[...].astype(jnp.float32) * scale + shift, 0.0)
    y = jnp.dot(z, w_ref[...], preferred_element_type=jnp.float32)
    o_ref[...] = y.astype(jnp.bfloat16)
    s = jnp.sum(y, axis=0, keepdims=True)
    q = jnp.sum(y * y, axis=0, keepdims=True)
    part = jnp.concatenate([s, q, jnp.zeros((6, y.shape[1]), jnp.float32)], axis=0)

    @pl.when(i == 0)
    def _():
        st_ref[...] = jnp.zeros_like(st_ref)

    st_ref[...] += part


def _k4_body(y_ref, pr_ref, o_ref):
    scale = pr_ref[0:1, :]
    shift = pr_ref[1:2, :]
    z = jnp.maximum(y_ref[...].astype(jnp.float32) * scale + shift, 0.0)
    rows = [jnp.max(z[g * N_SMP:(g + 1) * N_SMP], axis=0, keepdims=True)
            for g in range(TS // N_SMP)]
    o_ref[...] = jnp.concatenate(rows, axis=0)


def _layer1(tg, nx8, w0ext, w0x8, S):
    grid = S // TS
    return pl.pallas_call(
        _k1_body,
        grid=(grid,),
        in_specs=[
            pl.BlockSpec((TS, 256), lambda i: (i, 0)),
            pl.BlockSpec((8, 128), lambda i: (0, i // 8)),
            pl.BlockSpec((256, 128), lambda i: (0, 0)),
            pl.BlockSpec((8, 128), lambda i: (0, 0)),
        ],
        out_specs=[
            pl.BlockSpec((TS, 128), lambda i: (i, 0)),
            pl.BlockSpec((8, 128), lambda i: (0, 0)),
        ],
        out_shape=[
            jax.ShapeDtypeStruct((S, 128), jnp.bfloat16),
            jax.ShapeDtypeStruct((8, 128), jnp.float32),
        ],
    )(tg, nx8, w0ext, w0x8)


def _layer_mid(y, params, wT, S, cout):
    grid = S // TS
    return pl.pallas_call(
        _k2_body,
        grid=(grid,),
        in_specs=[
            pl.BlockSpec((TS, 128), lambda i: (i, 0)),
            pl.BlockSpec((8, 128), lambda i: (0, 0)),
            pl.BlockSpec((128, cout), lambda i: (0, 0)),
        ],
        out_specs=[
            pl.BlockSpec((TS, cout), lambda i: (i, 0)),
            pl.BlockSpec((8, cout), lambda i: (0, 0)),
        ],
        out_shape=[
            jax.ShapeDtypeStruct((S, cout), jnp.bfloat16),
            jax.ShapeDtypeStruct((8, cout), jnp.float32),
        ],
    )(y, params, wT)


def _layer_pool(y, params, S, cout):
    grid = S // TS
    return pl.pallas_call(
        _k4_body,
        grid=(grid,),
        in_specs=[
            pl.BlockSpec((TS, cout), lambda i: (i, 0)),
            pl.BlockSpec((8, cout), lambda i: (0, 0)),
        ],
        out_specs=pl.BlockSpec((TS // N_SMP, cout), lambda i: (i, 0)),
        out_shape=jax.ShapeDtypeStruct((S // N_SMP, cout), jnp.float32),
    )(y, params)


def _mkparams(st, b, gamma, beta, S):
    mean = st[0] / S + b
    var = st[1] / S - (st[0] / S) ** 2
    scale = gamma * jax.lax.rsqrt(var + EPSV)
    shift = beta - mean * scale
    pr = jnp.zeros((8, scale.shape[0]), jnp.float32)
    pr = pr.at[0].set(scale).at[1].set(shift)
    return pr


def kernel(xyz, points, W0, b0, gamma0, beta0, W1, b1, gamma1, beta1,
           W2, b2, gamma2, beta2):
    B, N, _ = xyz.shape
    S = B * N_PT * N_SMP

    cents, new_xyz, nxT = _fps_pallas(xyz)

    xyzT3 = xyz.transpose(2, 0, 1).reshape(3, B * N)
    nx8 = jnp.zeros((8, B * N_PT), jnp.float32).at[:3].set(nxT)
    xyz8 = jnp.zeros((8, B * N), jnp.float32).at[:3].set(xyzT3)
    a2v = (new_xyz ** 2).sum(-1).reshape(B * N_PT)
    a2c = jnp.broadcast_to(a2v[:, None], (B * N_PT, 128))
    b2v = (xyz ** 2).sum(-1).reshape(B * N)
    b2r = jnp.broadcast_to(b2v[None, :], (8, B * N))
    idxmat = _kd(nx8, xyz8, a2c, b2r, B)

    offs = (jnp.arange(B, dtype=jnp.int32) * N).repeat(N_PT)[:, None]
    fidx = (idxmat[:, :N_SMP] + offs).reshape(S)
    ptab = jnp.concatenate(
        [points.reshape(B * N, 128), xyz.reshape(B * N, 3),
         jnp.zeros((B * N, 125), jnp.float32)], axis=1)
    tg = _sc_gather(fidx, ptab, S)

    w0x8 = jnp.zeros((8, 128), jnp.float32).at[:3].set(W0[:, :3].T)
    w0ext = jnp.zeros((256, 128), jnp.float32)
    w0ext = w0ext.at[:128].set(W0[:, 3:].T).at[128:131].set(W0[:, :3].T)

    y1, st1 = _layer1(tg, nx8, w0ext, w0x8, S)
    pr1 = _mkparams(st1, b0, gamma0, beta0, S)
    y2, st2 = _layer_mid(y1, pr1, W1.T, S, 128)
    pr2 = _mkparams(st2, b1, gamma1, beta1, S)
    y3, st3 = _layer_mid(y2, pr2, W2.T, S, 256)
    pr3 = _mkparams(st3, b2, gamma2, beta2, S)
    feats = _layer_pool(y3, pr3, S, 256)

    return new_xyz, feats.reshape(B, N_PT, 256)

# --- scband reference (transcript-rebuilt; emitter-appended) ---
"""Pipeline reference for scband-set-abstraction-52003464020759 (READ-ONLY COPY).

The authoritative reference and input builder live on the scoring server;
editing this copy changes nothing except your own understanding.
"""

import jax, jax.numpy as jnp
import numpy as np

NPOINT = 512
RADIUS = 0.2
NSAMPLE = 32
IN_CH = 128
OUT_CHS = [128, 128, 256]
EPS = 1e-5

def _cdist(a, b):
    a2 = (a ** 2).sum(-1)[:, :, None]
    b2 = (b ** 2).sum(-1)[:, None, :]
    ab = jnp.einsum('bik,bjk->bij', a, b)
    return jnp.sqrt(jnp.maximum(a2 + b2 - 2.0 * ab, 0.0))

def _index_points(pts, idx):
    B = pts.shape[0]
    bi = jnp.arange(B).reshape((B,) + (1,) * (idx.ndim - 1))
    return pts[bi, idx]

def _fps(xyz, npoint):
    B, N, _ = xyz.shape
    farthest = jax.random.randint(jax.random.key(42), (B,), 0, N).astype(jnp.int32)
    centroids = jnp.zeros((B, npoint), dtype=jnp.int32)
    dists = jnp.full((B, N), 1e10, dtype=xyz.dtype)
    def body(i, st):
        cents, d, far = st
        cents = cents.at[:, i].set(far)
        c = xyz[jnp.arange(B), far][:, None, :]
        dd = ((xyz - c) ** 2).sum(-1)
        d = jnp.minimum(d, dd)
        far = jnp.argmax(d, axis=1).astype(jnp.int32)
        return (cents, d, far)
    cents, _, _ = jax.lax.fori_loop(0, npoint, body, (centroids, dists, farthest))
    return cents

def _ball_query(xyz, new_xyz, radius, nsample):
    d = _cdist(new_xyz, xyz)
    idx = jnp.argsort(d, axis=2)[:, :, :nsample]
    cen = jnp.broadcast_to(idx[:, :, :1], idx.shape)
    gd = jnp.take_along_axis(d, idx, axis=2)
    return jnp.where(gd > radius, cen, idx)

def _forward(xyz, points, params):
    B, N, _ = xyz.shape
    centroids = _fps(jax.lax.stop_gradient(xyz), NPOINT)
    new_xyz = _index_points(xyz, centroids)
    idx = _ball_query(jax.lax.stop_gradient(xyz), jax.lax.stop_gradient(new_xyz), RADIUS, NSAMPLE)
    grouped_xyz = _index_points(xyz, idx) - new_xyz[:, :, None, :]
    grouped = jnp.concatenate([grouped_xyz, _index_points(points, idx)], axis=-1)
    g = grouped.reshape(B * NPOINT, NSAMPLE, -1).transpose(0, 2, 1)
    for (W, b, gamma, beta) in params:
        g = jnp.einsum('oc,bck->bok', W, g) + b[None, :, None]
        mean = g.mean(axis=(0, 2), keepdims=True)
        var = g.var(axis=(0, 2), keepdims=True)
        g = gamma[None, :, None] * (g - mean) / jnp.sqrt(var + EPS) + beta[None, :, None]
        g = jax.nn.relu(g)
    feats = jnp.max(g, axis=2).reshape(B, NPOINT, -1)
    return (new_xyz, feats)

def setup_inputs(seed: int = 0):
    key = jax.random.key(seed)
    ks = jax.random.split(key, 8)
    xyz = jax.random.uniform(ks[0], (8, 2048, 3), dtype=jnp.float32)
    points = jax.random.normal(ks[1], (8, 2048, IN_CH), dtype=jnp.float32)
    inp = {'xyz': xyz, 'points': points}
    ch = IN_CH + 3
    for li, oc in enumerate(OUT_CHS):
        inp['W%d' % li] = jax.random.normal(ks[2 + li], (oc, ch), dtype=jnp.float32) / np.sqrt(ch)
        inp['b%d' % li] = jnp.zeros((oc,), dtype=jnp.float32)
        inp['gamma%d' % li] = jnp.ones((oc,), dtype=jnp.float32)
        inp['beta%d' % li] = jnp.zeros((oc,), dtype=jnp.float32)
        ch = oc
    return inp

def reference(xyz, points, W0, b0, gamma0, beta0, W1, b1, gamma1, beta1, W2, b2, gamma2, beta2):
    params = [(W0, b0, gamma0, beta0), (W1, b1, gamma1, beta1), (W2, b2, gamma2, beta2)]
    return _forward(xyz, points, params)

if __name__ == "__main__":
    import jax
    _d = setup_inputs()
    print(jax.jit(kernel)(*tuple(_d.values())))

</pallas_src>

<mosaic_0001>
#map = affine_map<(d0, d1) -> (0)>
#map1 = affine_map<(d0, d1) -> (0, 0)>
module attributes {stable_mosaic.version = 14 : i64} {
  func.func @gk(%arg0: i32, %arg1: i32, %arg2: memref<131072xi32, #tpu.memory_space<hbm>>, %arg3: memref<16384x256xf32, #tpu.memory_space<hbm>>, %arg4: memref<131072x256xf32, #tpu.memory_space<hbm>>, %arg5: memref<128xi32, #tpu.memory_space<vmem>>, %arg6: memref<128xi32, #tpu.memory_space<vmem>>, %arg7: memref<128x256xf32, #tpu.memory_space<vmem>>, %arg8: memref<128x256xf32, #tpu.memory_space<vmem>>, %arg9: memref<!tpu.dma_semaphore, #tpu.memory_space<semaphore_mem>>, %arg10: memref<!tpu.dma_semaphore, #tpu.memory_space<semaphore_mem>>) attributes {dimension_semantics = [#tpu.dimension_semantics<core_parallel>, #tpu.dimension_semantics<subcore_parallel>], iteration_bounds = array<i64: 2, 16>, scalar_prefetch = 0 : i64, scratch_operands = 6 : i64, tpu.core_type = #tpu.core_type<sc_vector_subcore>, window_params = [{transform_indices = #map}, {transform_indices = #map1}, {transform_indices = #map1}]} {
    %mul3A = arith.constant 2 : i32
    %mul3A_0 = arith.muli %arg1, %mul3A : i32
    %add3A = arith.addi %mul3A_0, %arg0 : i32
    %mul3A_1 = arith.constant 4096 : i32
    %mul3A_2 = arith.muli %add3A, %mul3A_1 : i32
    %scan3A = arith.constant 0 : i32
    %scan3A_3 = arith.constant 0 : i32
    %scan3A_4 = arith.constant 16 : i32
    %scan3A_5 = arith.addi %scan3A_3, %scan3A_4 : i32
    %scan3A_6 = arith.constant 1 : i32
    %scan3A_7 = scf.for %scan3A_9 = %scan3A_3 to %scan3A_5 step %scan3A_6 iter_args(%scan3A_10 = %scan3A) -> (i32)  : i32 {
      %mul3A_11 = arith.constant 256 : i32
      %mul3A_12 = arith.muli %scan3A_9, %mul3A_11 : i32
      %add3A_13 = arith.addi %mul3A_2, %mul3A_12 : i32
      %add3A_14 = arith.constant 128 : i32
      %add3A_15 = arith.addi %add3A_13, %add3A_14 : i32
      "tpu.region"() ({
        %run_scoped3A = tpu.sem_alloc : memref<!tpu.dma_semaphore, #tpu.memory_space<semaphore_mem>>
        %dma_start3A_27 = tpu.memref_slice %arg2[%add3A_13] : memref<131072xi32, #tpu.memory_space<hbm>> -> memref<128xi32, #tpu.memory_space<hbm>>
        %dma_start3A_28 = tpu.memref_slice %arg2[%add3A_13] : memref<131072xi32, #tpu.memory_space<hbm>> -> memref<128xi32, #tpu.memory_space<hbm>>
        tpu.enqueue_dma source(%dma_start3A_28 : memref<128xi32, #tpu.memory_space<hbm>>) target(%arg5 : memref<128xi32, #tpu.memory_space<vmem>>) target_semaphore(%run_scoped3A : memref<!tpu.dma_semaphore, #tpu.memory_space<semaphore_mem>>)
        %dma_wait3A_29 = tpu.memref_slice %arg2[%add3A_13] : memref<131072xi32, #tpu.memory_space<hbm>> -> memref<128xi32, #tpu.memory_space<hbm>>
        %dma_wait3A_30 = tpu.memref_slice %arg2[%add3A_13] : memref<131072xi32, #tpu.memory_space<hbm>> -> memref<128xi32, #tpu.memory_space<hbm>>
        tpu.wait_dma2 semaphore(%run_scoped3A : memref<!tpu.dma_semaphore, #tpu.memory_space<semaphore_mem>>) src(%dma_wait3A_30 : memref<128xi32, #tpu.memory_space<hbm>>) dst(%arg5 : memref<128xi32, #tpu.memory_space<vmem>>)
        tpu.yield
      }) : () -> ()
      %dma_start3A = arith.constant 0 : i32
      %dma_start3A_16 = arith.constant 0 : i32
      %dma_start3A_17 = tpu.memref_slice %arg3[%dma_start3A, %dma_start3A_16] : memref<16384x256xf32, #tpu.memory_space<hbm>> -> memref<16384x256xf32, #tpu.memory_space<hbm>>
      tpu.enqueue_indirect_dma source(%dma_start3A_17 : memref<16384x256xf32, #tpu.memory_space<hbm>>) target(%arg7 : memref<128x256xf32, #tpu.memory_space<vmem>>) offsets(%arg5 : memref<128xi32, #tpu.memory_space<vmem>>) semaphore(%arg9 : memref<!tpu.dma_semaphore, #tpu.memory_space<semaphore_mem>>)
      "tpu.region"() ({
        %run_scoped3A = tpu.sem_alloc : memref<!tpu.dma_semaphore, #tpu.memory_space<semaphore_mem>>
        %dma_start3A_27 = tpu.memref_slice %arg2[%add3A_15] : memref<131072xi32, #tpu.memory_space<hbm>> -> memref<128xi32, #tpu.memory_space<hbm>>
        %dma_start3A_28 = tpu.memref_slice %arg2[%add3A_15] : memref<131072xi32, #tpu.memory_space<hbm>> -> memref<128xi32, #tpu.memory_space<hbm>>
        tpu.enqueue_dma source(%dma_start3A_28 : memref<128xi32, #tpu.memory_space<hbm>>) target(%arg6 : memref<128xi32, #tpu.memory_space<vmem>>) target_semaphore(%run_scoped3A : memref<!tpu.dma_semaphore, #tpu.memory_space<semaphore_mem>>)
        %dma_wait3A_29 = tpu.memref_slice %arg2[%add3A_15] : memref<131072xi32, #tpu.memory_space<hbm>> -> memref<128xi32, #tpu.memory_space<hbm>>
        %dma_wait3A_30 = tpu.memref_slice %arg2[%add3A_15] : memref<131072xi32, #tpu.memory_space<hbm>> -> memref<128xi32, #tpu.memory_space<hbm>>
        tpu.wait_dma2 semaphore(%run_scoped3A : memref<!tpu.dma_semaphore, #tpu.memory_space<semaphore_mem>>) src(%dma_wait3A_30 : memref<128xi32, #tpu.memory_space<hbm>>) dst(%arg6 : memref<128xi32, #tpu.memory_space<vmem>>)
        tpu.yield
      }) : () -> ()
      %dma_start3A_18 = arith.constant 0 : i32
      %dma_start3A_19 = arith.constant 0 : i32
      %dma_start3A_20 = tpu.memref_slice %arg3[%dma_start3A_18, %dma_start3A_19] : memref<16384x256xf32, #tpu.memory_space<hbm>> -> memref<16384x256xf32, #tpu.memory_space<hbm>>
      tpu.enqueue_indirect_dma source(%dma_start3A_20 : memref<16384x256xf32, #tpu.memory_space<hbm>>) target(%arg8 : memref<128x256xf32, #tpu.memory_space<vmem>>) offsets(%arg6 : memref<128xi32, #tpu.memory_space<vmem>>) semaphore(%arg10 : memref<!tpu.dma_semaphore, #tpu.memory_space<semaphore_mem>>)
      %dma_wait3A = arith.constant 0 : i32
      %dma_wait3A_21 = arith.constant 0 : i32
      %dma_wait3A_22 = tpu.memref_slice %arg3[%dma_wait3A, %dma_wait3A_21] : memref<16384x256xf32, #tpu.memory_space<hbm>> -> memref<16384x256xf32, #tpu.memory_space<hbm>>
      tpu.wait_indirect_dma semaphore(%arg9 : memref<!tpu.dma_semaphore, #tpu.memory_space<semaphore_mem>>) src(%dma_wait3A_22 : memref<16384x256xf32, #tpu.memory_space<hbm>>) dst(%arg7 : memref<128x256xf32, #tpu.memory_space<vmem>>)
      "tpu.region"() ({
        %run_scoped3A = tpu.sem_alloc : memref<!tpu.dma_semaphore, #tpu.memory_space<semaphore_mem>>
        %dma_start3A_27 = arith.constant 0 : i32
        %dma_start3A_28 = tpu.memref_slice %arg4[%add3A_13, %dma_start3A_27] : memref<131072x256xf32, #tpu.memory_space<hbm>> -> memref<128x256xf32, #tpu.memory_space<hbm>>
        %dma_start3A_29 = arith.constant 0 : i32
        %dma_start3A_30 = tpu.memref_slice %arg4[%add3A_13, %dma_start3A_29] : memref<131072x256xf32, #tpu.memory_space<hbm>> -> memref<128x256xf32, #tpu.memory_space<hbm>>
        tpu.enqueue_dma source(%arg7 : memref<128x256xf32, #tpu.memory_space<vmem>>) target(%dma_start3A_30 : memref<128x256xf32, #tpu.memory_space<hbm>>) target_semaphore(%run_scoped3A : memref<!tpu.dma_semaphore, #tpu.memory_space<semaphore_mem>>)
        %dma_wait3A_31 = arith.constant 0 : i32
        %dma_wait3A_32 = tpu.memref_slice %arg4[%add3A_13, %dma_wait3A_31] : memref<131072x256xf32, #tpu.memory_space<hbm>> -> memref<128x256xf32, #tpu.memory_space<hbm>>
        %dma_wait3A_33 = arith.constant 0 : i32
        %dma_wait3A_34 = tpu.memref_slice %arg4[%add3A_13, %dma_wait3A_33] : memref<131072x256xf32, #tpu.memory_space<hbm>> -> memref<128x256xf32, #tpu.memory_space<hbm>>
        tpu.wait_dma2 semaphore(%run_scoped3A : memref<!tpu.dma_semaphore, #tpu.memory_space<semaphore_mem>>) src(%arg7 : memref<128x256xf32, #tpu.memory_space<vmem>>) dst(%dma_wait3A_34 : memref<128x256xf32, #tpu.memory_space<hbm>>)
        tpu.yield
      }) : () -> ()
      %dma_wait3A_23 = arith.constant 0 : i32
      %dma_wait3A_24 = arith.constant 0 : i32
      %dma_wait3A_25 = tpu.memref_slice %arg3[%dma_wait3A_23, %dma_wait3A_24] : memref<16384x256xf32, #tpu.memory_space<hbm>> -> memref<16384x256xf32, #tpu.memory_space<hbm>>
      tpu.wait_indirect_dma semaphore(%arg10 : memref<!tpu.dma_semaphore, #tpu.memory_space<semaphore_mem>>) src(%dma_wait3A_25 : memref<16384x256xf32, #tpu.memory_space<hbm>>) dst(%arg8 : memref<128x256xf32, #tpu.memory_space<vmem>>)
      "tpu.region"() ({
        %run_scoped3A = tpu.sem_alloc : memref<!tpu.dma_semaphore, #tpu.memory_space<semaphore_mem>>
        %dma_start3A_27 = arith.constant 0 : i32
        %dma_start3A_28 = tpu.memref_slice %arg4[%add3A_15, %dma_start3A_27] : memref<131072x256xf32, #tpu.memory_space<hbm>> -> memref<128x256xf32, #tpu.memory_space<hbm>>
        %dma_start3A_29 = arith.constant 0 : i32
        %dma_start3A_30 = tpu.memref_slice %arg4[%add3A_15, %dma_start3A_29] : memref<131072x256xf32, #tpu.memory_space<hbm>> -> memref<128x256xf32, #tpu.memory_space<hbm>>
        tpu.enqueue_dma source(%arg8 : memref<128x256xf32, #tpu.memory_space<vmem>>) target(%dma_start3A_30 : memref<128x256xf32, #tpu.memory_space<hbm>>) target_semaphore(%run_scoped3A : memref<!tpu.dma_semaphore, #tpu.memory_space<semaphore_mem>>)
        %dma_wait3A_31 = arith.constant 0 : i32
        %dma_wait3A_32 = tpu.memref_slice %arg4[%add3A_15, %dma_wait3A_31] : memref<131072x256xf32, #tpu.memory_space<hbm>> -> memref<128x256xf32, #tpu.memory_space<hbm>>
        %dma_wait3A_33 = arith.constant 0 : i32
        %dma_wait3A_34 = tpu.memref_slice %arg4[%add3A_15, %dma_wait3A_33] : memref<131072x256xf32, #tpu.memory_space<hbm>> -> memref<128x256xf32, #tpu.memory_space<hbm>>
        tpu.wait_dma2 semaphore(%run_scoped3A : memref<!tpu.dma_semaphore, #tpu.memory_space<semaphore_mem>>) src(%arg8 : memref<128x256xf32, #tpu.memory_space<vmem>>) dst(%dma_wait3A_34 : memref<128x256xf32, #tpu.memory_space<hbm>>)
        tpu.yield
      }) : () -> ()
      %scan3A_26 = arith.constant 0 : i32
      scf.yield %scan3A_26 : i32
    }
    %scan3A_8 = arith.constant 16 : i32
    return
  }
}

module attributes {stable_mosaic.version = 14 : i64} {
  func.func @_fps_body(%arg0: memref<8x2048xf32, #tpu.memory_space<vmem>>, %arg1: memref<8x2048xf32, #tpu.memory_space<vmem>>, %arg2: memref<8x2048xf32, #tpu.memory_space<vmem>>, %arg3: memref<8x128xi32, #tpu.memory_space<vmem>>, %arg4: memref<8x512xi32, #tpu.memory_space<vmem>>, %arg5: memref<8x512xf32, #tpu.memory_space<vmem>>, %arg6: memref<8x512xf32, #tpu.memory_space<vmem>>, %arg7: memref<8x512xf32, #tpu.memory_space<vmem>>) attributes {dimension_semantics = [], scalar_prefetch = 0 : i64, scratch_operands = 0 : i64, tpu.core_type = #tpu.core_type<tc>} {
    %get3A = arith.constant 0 : index
    %get3A_0 = arith.constant 0 : index
    %get3A_1 = vector.load %arg0[%get3A, %get3A_0] : memref<8x2048xf32, #tpu.memory_space<vmem>>, vector<8x2048xf32>
    %get3A_2 = arith.constant 0 : index
    %get3A_3 = arith.constant 0 : index
    %get3A_4 = vector.load %arg1[%get3A_2, %get3A_3] : memref<8x2048xf32, #tpu.memory_space<vmem>>, vector<8x2048xf32>
    %get3A_5 = arith.constant 0 : index
    %get3A_6 = arith.constant 0 : index
    %get3A_7 = vector.load %arg2[%get3A_5, %get3A_6] : memref<8x2048xf32, #tpu.memory_space<vmem>>, vector<8x2048xf32>
    %iota3A = tpu.iota {dimensions = array<i32: 1>} : vector<8x2048xi32>
    %iota3A_8 = tpu.iota {dimensions = array<i32: 1>} : vector<8x512xi32>
    %broadcast_in_dim3A = arith.constant 1.000000e+10 : f32
    %broadcast_in_dim3A_9 = vector.broadcast %broadcast_in_dim3A : f32 to vector<8x2048xf32>
    %get3A_10 = arith.constant 0 : index
    %get3A_11 = arith.constant 0 : index
    %get3A_12 = vector.load %arg3[%get3A_10, %get3A_11] : memref<8x128xi32, #tpu.memory_space<vmem>>, vector<8x128xi32>
    %slice3A = vector.extract_strided_slice %get3A_12 {offsets = [0, 0], sizes = [8, 1], strides = [1, 1]} : vector<8x128xi32> to vector<8x1xi32>
    %broadcast_in_dim3A_13 = arith.constant 0 : i32
    %broadcast_in_dim3A_14 = vector.broadcast %broadcast_in_dim3A_13 : i32 to vector<8x512xi32>
    %broadcast_in_dim3A_15 = arith.constant 0.000000e+00 : f32
    %broadcast_in_dim3A_16 = vector.broadcast %broadcast_in_dim3A_15 : f32 to vector<8x512xf32>
    %scan3A = arith.constant 0 : i32
    %scan3A_17 = arith.constant 512 : i32
    %scan3A_18 = arith.addi %scan3A, %scan3A_17 : i32
    %scan3A_19 = arith.constant 1 : i32
    %scan3A_20:6 = scf.for %scan3A_33 = %scan3A to %scan3A_18 step %scan3A_19 iter_args(%scan3A_34 = %broadcast_in_dim3A_9, %scan3A_35 = %slice3A, %scan3A_36 = %broadcast_in_dim3A_14, %scan3A_37 = %broadcast_in_dim3A_16, %scan3A_38 = %broadcast_in_dim3A_16, %scan3A_39 = %broadcast_in_dim3A_16) -> (vector<8x2048xf32>, vector<8x1xi32>, vector<8x512xi32>, vector<8x512xf32>, vector<8x512xf32>, vector<8x512xf32>)  : i32 {
      %eq3A = vector.broadcast %scan3A_35 : vector<8x1xi32> to vector<8x2048xi32>
      %eq3A_40 = arith.cmpi eq, %iota3A, %eq3A : vector<8x2048xi32>
      %jit3A = arith.constant 0.000000e+00 : f32
      %broadcast_in_dim3A_41 = vector.broadcast %jit3A : f32 to vector<8x2048xf32>
      %select_n3A = arith.select %eq3A_40, %get3A_1, %broadcast_in_dim3A_41 : vector<8x2048xi1>, vector<8x2048xf32>
      %reduce_sum3A = arith.constant dense<0.000000e+00> : vector<8xf32>
      %reduce_sum3A_42 = vector.multi_reduction <add>, %select_n3A, %reduce_sum3A [1] : vector<8x2048xf32> to vector<8xf32>
      %broadcast_in_dim3A_43 = vector.shape_cast %reduce_sum3A_42 : vector<8xf32> to vector<8x1xf32>
      %jit3A_44 = arith.constant 0.000000e+00 : f32
      %broadcast_in_dim3A_45 = vector.broadcast %jit3A_44 : f32 to vector<8x2048xf32>
      %select_n3A_46 = arith.select %eq3A_40, %get3A_4, %broadcast_in_dim3A_45 : vector<8x2048xi1>, vector<8x2048xf32>
      %reduce_sum3A_47 = arith.constant dense<0.000000e+00> : vector<8xf32>
      %reduce_sum3A_48 = vector.multi_reduction <add>, %select_n3A_46, %reduce_sum3A_47 [1] : vector<8x2048xf32> to vector<8xf32>
      %broadcast_in_dim3A_49 = vector.shape_cast %reduce_sum3A_48 : vector<8xf32> to vector<8x1xf32>
      %jit3A_50 = arith.constant 0.000000e+00 : f32
      %broadcast_in_dim3A_51 = vector.broadcast %jit3A_50 : f32 to vector<8x2048xf32>
      %select_n3A_52 = arith.select %eq3A_40, %get3A_7, %broadcast_in_dim3A_51 : vector<8x2048xi1>, vector<8x2048xf32>
      %reduce_sum3A_53 = arith.constant dense<0.000000e+00> : vector<8xf32>
      %reduce_sum3A_54 = vector.multi_reduction <add>, %select_n3A_52, %reduce_sum3A_53 [1] : vector<8x2048xf32> to vector<8xf32>
      %broadcast_in_dim3A_55 = vector.shape_cast %reduce_sum3A_54 : vector<8xf32> to vector<8x1xf32>
      %sub3A = vector.broadcast %broadcast_in_dim3A_43 : vector<8x1xf32> to vector<8x2048xf32>
      %sub3A_56 = arith.subf %get3A_1, %sub3A : vector<8x2048xf32>
      %sub3A_57 = vector.broadcast %broadcast_in_dim3A_49 : vector<8x1xf32> to vector<8x2048xf32>
      %sub3A_58 = arith.subf %get3A_4, %sub3A_57 : vector<8x2048xf32>
      %sub3A_59 = vector.broadcast %broadcast_in_dim3A_55 : vector<8x1xf32> to vector<8x2048xf32>
      %sub3A_60 = arith.subf %get3A_7, %sub3A_59 : vector<8x2048xf32>
      %mul3A = arith.mulf %sub3A_56, %sub3A_56 : vector<8x2048xf32>
      %mul3A_61 = arith.mulf %sub3A_58, %sub3A_58 : vector<8x2048xf32>
      %add3A = arith.addf %mul3A, %mul3A_61 : vector<8x2048xf32>
      %mul3A_62 = arith.mulf %sub3A_60, %sub3A_60 : vector<8x2048xf32>
      %add3A_63 = arith.addf %add3A, %mul3A_62 : vector<8x2048xf32>
      %min3A = arith.minimumf %scan3A_34, %add3A_63 : vector<8x2048xf32>
      %reduce_max3A = arith.constant dense<0xFF800000> : vector<8xf32>
      %reduce_max3A_64 = vector.multi_reduction <maximumf>, %min3A, %reduce_max3A [1] : vector<8x2048xf32> to vector<8xf32>
      %broadcast_in_dim3A_65 = vector.shape_cast %reduce_max3A_64 : vector<8xf32> to vector<8x1xf32>
      %eq3A_66 = vector.broadcast %broadcast_in_dim3A_65 : vector<8x1xf32> to vector<8x2048xf32>
      %eq3A_67 = arith.cmpf oeq, %min3A, %eq3A_66 : vector<8x2048xf32>
      %jit3A_68 = arith.constant 2048 : i32
      %broadcast_in_dim3A_69 = vector.broadcast %jit3A_68 : i32 to vector<8x2048xi32>
      %select_n3A_70 = arith.select %eq3A_67, %iota3A, %broadcast_in_dim3A_69 : vector<8x2048xi1>, vector<8x2048xi32>
      %reduce_min3A = arith.constant dense<2147483647> : vector<8xi32>
      %reduce_min3A_71 = vector.multi_reduction <minsi>, %select_n3A_70, %reduce_min3A [1] : vector<8x2048xi32> to vector<8xi32>
      %broadcast_in_dim3A_72 = vector.shape_cast %reduce_min3A_71 : vector<8xi32> to vector<8x1xi32>
      %eq3A_73 = vector.broadcast %scan3A_33 : i32 to vector<8x512xi32>
      %eq3A_74 = arith.cmpi eq, %iota3A_8, %eq3A_73 : vector<8x512xi32>
      %broadcast_in_dim3A_75 = vector.shape_cast %scan3A_35 : vector<8x1xi32> to vector<8x1xi32>
      %broadcast_in_dim3A_76 = vector.broadcast %broadcast_in_dim3A_75 : vector<8x1xi32> to vector<8x512xi32>
      %select_n3A_77 = arith.select %eq3A_74, %broadcast_in_dim3A_76, %scan3A_36 : vector<8x512xi1>, vector<8x512xi32>
      %broadcast_in_dim3A_78 = vector.shape_cast %broadcast_in_dim3A_43 : vector<8x1xf32> to vector<8x1xf32>
      %broadcast_in_dim3A_79 = vector.broadcast %broadcast_in_dim3A_78 : vector<8x1xf32> to vector<8x512xf32>
      %select_n3A_80 = arith.select %eq3A_74, %broadcast_in_dim3A_79, %scan3A_37 : vector<8x512xi1>, vector<8x512xf32>
      %broadcast_in_dim3A_81 = vector.shape_cast %broadcast_in_dim3A_49 : vector<8x1xf32> to vector<8x1xf32>
      %broadcast_in_dim3A_82 = vector.broadcast %broadcast_in_dim3A_81 : vector<8x1xf32> to vector<8x512xf32>
      %select_n3A_83 = arith.select %eq3A_74, %broadcast_in_dim3A_82, %scan3A_38 : vector<8x512xi1>, vector<8x512xf32>
      %broadcast_in_dim3A_84 = vector.shape_cast %broadcast_in_dim3A_55 : vector<8x1xf32> to vector<8x1xf32>
      %broadcast_in_dim3A_85 = vector.broadcast %broadcast_in_dim3A_84 : vector<8x1xf32> to vector<8x512xf32>
      %select_n3A_86 = arith.select %eq3A_74, %broadcast_in_dim3A_85, %scan3A_39 : vector<8x512xi1>, vector<8x512xf32>
      scf.yield %min3A, %broadcast_in_dim3A_72, %select_n3A_77, %select_n3A_80, %select_n3A_83, %select_n3A_86 : vector<8x2048xf32>, vector<8x1xi32>, vector<8x512xi32>, vector<8x512xf32>, vector<8x512xf32>, vector<8x512xf32>
    }
    %scan3A_21 = arith.constant 512 : i32
    %swap3A = arith.constant 0 : index
    %swap3A_22 = arith.constant 0 : index
    %swap3A_23 = vector.load %arg4[%swap3A, %swap3A_22] : memref<8x512xi32, #tpu.memory_space<vmem>>, vector<8x512xi32>
    tpu.vector_store %arg4[%swap3A, %swap3A_22], %scan3A_20#2 {strides = array<i32>} : memref<8x512xi32, #tpu.memory_space<vmem>>, vector<8x512xi32>,
    %swap3A_24 = arith.constant 0 : index
    %swap3A_25 = arith.constant 0 : index
    %swap3A_26 = vector.load %arg5[%swap3A_24, %swap3A_25] : memref<8x512xf32, #tpu.memory_space<vmem>>, vector<8x512xf32>
    tpu.vector_store %arg5[%swap3A_24, %swap3A_25], %scan3A_20#3 {strides = array<i32>} : memref<8x512xf32, #tpu.memory_space<vmem>>, vector<8x512xf32>,
    %swap3A_27 = arith.constant 0 : index
    %swap3A_28 = arith.constant 0 : index
    %swap3A_29 = vector.load %arg6[%swap3A_27, %swap3A_28] : memref<8x512xf32, #tpu.memory_space<vmem>>, vector<8x512xf32>
    tpu.vector_store %arg6[%swap3A_27, %swap3A_28], %scan3A_20#4 {strides = array<i32>} : memref<8x512xf32, #tpu.memory_space<vmem>>, vector<8x512xf32>,
    %swap3A_30 = arith.constant 0 : index
    %swap3A_31 = arith.constant 0 : index
    %swap3A_32 = vector.load %arg7[%swap3A_30, %swap3A_31] : memref<8x512xf32, #tpu.memory_space<vmem>>, vector<8x512xf32>
    tpu.vector_store %arg7[%swap3A_30, %swap3A_31], %scan3A_20#5 {strides = array<i32>} : memref<8x512xf32, #tpu.memory_space<vmem>>, vector<8x512xf32>,
    return
  }
}

module attributes {stable_mosaic.version = 14 : i64} {
  func.func @_kd_body(%arg0: i32, %arg1: memref<8x512xf32, #tpu.memory_space<vmem>>, %arg2: memref<8x2048xf32, #tpu.memory_space<vmem>>, %arg3: memref<512x128xf32, #tpu.memory_space<vmem>>, %arg4: memref<8x2048xf32, #tpu.memory_space<vmem>>, %arg5: memref<512x128xi32, #tpu.memory_space<vmem>>) attributes {dimension_semantics = [#tpu.dimension_semantics<arbitrary>], iteration_bounds = array<i64: 8>, scalar_prefetch = 0 : i64, scratch_operands = 0 : i64, tpu.core_type = #tpu.core_type<tc>, window_params = [{transform_indices = @transform_0, window_bounds = array<i64: 8, 512>}, {transform_indices = @transform_1, window_bounds = array<i64: 8, 2048>}, {transform_indices = @transform_2, window_bounds = array<i64: 512, 128>}, {transform_indices = @transform_3, window_bounds = array<i64: 8, 2048>}, {transform_indices = @transform_4, window_bounds = array<i64: 512, 128>}]} {
    %get3A = arith.constant 0 : index
    %get3A_0 = arith.constant 0 : index
    %get3A_1 = vector.load %arg1[%get3A, %get3A_0] : memref<8x512xf32, #tpu.memory_space<vmem>>, vector<8x512xf32>
    %get3A_2 = arith.constant 0 : index
    %get3A_3 = arith.constant 0 : index
    %get3A_4 = vector.load %arg2[%get3A_2, %get3A_3] : memref<8x2048xf32, #tpu.memory_space<vmem>>, vector<8x2048xf32>
    %get3A_5 = arith.constant 0 : index
    %get3A_6 = arith.constant 0 : index
    %get3A_7 = vector.load %arg3[%get3A_5, %get3A_6] : memref<512x128xf32, #tpu.memory_space<vmem>>, vector<512x128xf32>
    %slice3A = vector.extract_strided_slice %get3A_7 {offsets = [0, 0], sizes = [512, 1], strides = [1, 1]} : vector<512x128xf32> to vector<512x1xf32>
    %get3A_8 = arith.constant 0 : index
    %get3A_9 = arith.constant 0 : index
    %get3A_10 = vector.load %arg4[%get3A_8, %get3A_9] : memref<8x2048xf32, #tpu.memory_space<vmem>>, vector<8x2048xf32>
    %slice3A_11 = vector.extract_strided_slice %get3A_10 {offsets = [0, 0], sizes = [1, 2048], strides = [1, 1]} : vector<8x2048xf32> to vector<1x2048xf32>
    %dot_general3A = arith.constant dense<0.000000e+00> : vector<512x2048xf32>
    %dot_general3A_12 = tpu.matmul %get3A_1, %get3A_4, %dot_general3A {dimension_numbers = #tpu.dot_dimension_numbers<[0], [0], [1], [1], [0, 1, 1, 1], [], []>, transpose_lhs_hint = false} : vector<8x512xf32>, vector<8x2048xf32>, vector<512x2048xf32> -> vector<512x2048xf32>
    %add3A = vector.broadcast %slice3A : vector<512x1xf32> to vector<512x2048xf32>
    %add3A_13 = vector.broadcast %slice3A_11 : vector<1x2048xf32> to vector<512x2048xf32>
    %add3A_14 = arith.addf %add3A, %add3A_13 : vector<512x2048xf32>
    %mul3A = arith.constant 2.000000e+00 : f32
    %mul3A_15 = vector.broadcast %mul3A : f32 to vector<512x2048xf32>
    %mul3A_16 = arith.mulf %mul3A_15, %dot_general3A_12 : vector<512x2048xf32>
    %sub3A = arith.subf %add3A_14, %mul3A_16 : vector<512x2048xf32>
    %max3A = arith.constant 0.000000e+00 : f32
    %max3A_17 = vector.broadcast %max3A : f32 to vector<512x2048xf32>
    %max3A_18 = arith.maximumf %sub3A, %max3A_17 : vector<512x2048xf32>
    %sqrt3A = math.sqrt %max3A_18 : vector<512x2048xf32>
    %bitcast_convert_type3A = tpu.bitcast %sqrt3A : vector<512x2048xf32> -> vector<512x2048xi32>
    %broadcast_in_dim3A = arith.constant 0 : i32
    %broadcast_in_dim3A_19 = vector.broadcast %broadcast_in_dim3A : i32 to vector<512x1xi32>
    %broadcast_in_dim3A_20 = arith.constant 1073741824 : i32
    %broadcast_in_dim3A_21 = vector.broadcast %broadcast_in_dim3A_20 : i32 to vector<512x1xi32>
    %scan3A = arith.constant 0 : i32
    %scan3A_22 = arith.constant 30 : i32
    %scan3A_23 = arith.addi %scan3A, %scan3A_22 : i32
    %scan3A_24 = arith.constant 1 : i32
    %scan3A_25:2 = scf.for %scan3A_645 = %scan3A to %scan3A_23 step %scan3A_24 iter_args(%scan3A_646 = %broadcast_in_dim3A_19, %scan3A_647 = %broadcast_in_dim3A_21) -> (vector<512x1xi32>, vector<512x1xi32>)  : i32 {
      %add3A_648 = arith.addi %scan3A_646, %scan3A_647 : vector<512x1xi32>
      %shift_right_arithmetic3A = arith.constant 1 : i32
      %shift_right_arithmetic3A_649 = vector.broadcast %shift_right_arithmetic3A : i32 to vector<512x1xi32>
      %shift_right_arithmetic3A_650 = arith.shrsi %add3A_648, %shift_right_arithmetic3A_649 : vector<512x1xi32>
      %le3A_651 = vector.broadcast %shift_right_arithmetic3A_650 : vector<512x1xi32> to vector<512x2048xi32>
      %le3A_652 = arith.cmpi sle, %bitcast_convert_type3A, %le3A_651 : vector<512x2048xi32>
      %convert_element_type3A_653 = arith.extui %le3A_652 : vector<512x2048xi1> to vector<512x2048xi32>
      %reduce_sum3A = arith.constant dense<0> : vector<512xi32>
      %reduce_sum3A_654 = vector.multi_reduction <add>, %convert_element_type3A_653, %reduce_sum3A [1] : vector<512x2048xi32> to vector<512xi32>
      %broadcast_in_dim3A_655 = vector.shape_cast %reduce_sum3A_654 : vector<512xi32> to vector<512x1xi32>
      %ge3A = arith.constant 32 : i32
      %ge3A_656 = vector.broadcast %ge3A : i32 to vector<512x1xi32>
      %ge3A_657 = arith.cmpi sge, %broadcast_in_dim3A_655, %ge3A_656 : vector<512x1xi32>
      %select_n3A_658 = arith.select %ge3A_657, %scan3A_646, %shift_right_arithmetic3A_650 : vector<512x1xi1>, vector<512x1xi32>
      %select_n3A_659 = arith.select %ge3A_657, %shift_right_arithmetic3A_650, %scan3A_647 : vector<512x1xi1>, vector<512x1xi32>
      scf.yield %select_n3A_658, %select_n3A_659 : vector<512x1xi32>, vector<512x1xi32>
    }
    %bitcast_convert_type3A_26 = tpu.bitcast %scan3A_25#1 : vector<512x1xi32> -> vector<512x1xf32>
    %min3A = arith.constant 2.000000e-01 : f32
    %min3A_27 = vector.broadcast %min3A : f32 to vector<512x1xf32>
    %min3A_28 = arith.minimumf %bitcast_convert_type3A_26, %min3A_27 : vector<512x1xf32>
    %le3A = vector.broadcast %min3A_28 : vector<512x1xf32> to vector<512x2048xf32>
    %le3A_29 = arith.cmpf ole, %sqrt3A, %le3A : vector<512x2048xf32>
    %jit3A = arith.constant 1.000000e+00 : f32
    %jit3A_30 = arith.constant 0.000000e+00 : f32
    %broadcast_in_dim3A_31 = vector.broadcast %jit3A : f32 to vector<512x2048xf32>
    %broadcast_in_dim3A_32 = vector.broadcast %jit3A_30 : f32 to vector<512x2048xf32>
    %select_n3A = arith.select %le3A_29, %broadcast_in_dim3A_31, %broadcast_in_dim3A_32 : vector<512x2048xi1>, vector<512x2048xf32>
    %iota3A = tpu.iota {dimensions = array<i32: 0>} : vector<2048x128xi32>
    %iota3A_33 = tpu.iota {dimensions = array<i32: 1>} : vector<2048x128xi32>
    %add3A_34 = arith.constant 0 : i32
    %add3A_35 = vector.broadcast %add3A_34 : i32 to vector<2048x128xi32>
    %add3A_36 = arith.addi %add3A_35, %iota3A_33 : vector<2048x128xi32>
    %le3A_37 = arith.cmpi sle, %iota3A, %add3A_36 : vector<2048x128xi32>
    %jit3A_38 = arith.constant 1.000000e+00 : f32
    %jit3A_39 = arith.constant 0.000000e+00 : f32
    %broadcast_in_dim3A_40 = vector.broadcast %jit3A_38 : f32 to vector<2048x128xf32>
    %broadcast_in_dim3A_41 = vector.broadcast %jit3A_39 : f32 to vector<2048x128xf32>
    %select_n3A_42 = arith.select %le3A_37, %broadcast_in_dim3A_40, %broadcast_in_dim3A_41 : vector<2048x128xi1>, vector<2048x128xf32>
    %dot_general3A_43 = arith.constant dense<0.000000e+00> : vector<512x128xf32>
    %dot_general3A_44 = tpu.matmul %select_n3A, %select_n3A_42, %dot_general3A_43 {dimension_numbers = #tpu.dot_dimension_numbers<[1], [0], [0], [1], [0, 0, 1, 1], [], []>, transpose_lhs_hint = false} : vector<512x2048xf32>, vector<2048x128xf32>, vector<512x128xf32> -> vector<512x128xf32>
    %add3A_45 = arith.constant 128 : i32
    %add3A_46 = vector.broadcast %add3A_45 : i32 to vector<2048x128xi32>
    %add3A_47 = arith.addi %add3A_46, %iota3A_33 : vector<2048x128xi32>
    %le3A_48 = arith.cmpi sle, %iota3A, %add3A_47 : vector<2048x128xi32>
    %jit3A_49 = arith.constant 1.000000e+00 : f32
    %jit3A_50 = arith.constant 0.000000e+00 : f32
    %broadcast_in_dim3A_51 = vector.broadcast %jit3A_49 : f32 to vector<2048x128xf32>
    %broadcast_in_dim3A_52 = vector.broadcast %jit3A_50 : f32 to vector<2048x128xf32>
    %select_n3A_53 = arith.select %le3A_48, %broadcast_in_dim3A_51, %broadcast_in_dim3A_52 : vector<2048x128xi1>, vector<2048x128xf32>
    %dot_general3A_54 = arith.constant dense<0.000000e+00> : vector<512x128xf32>
    %dot_general3A_55 = tpu.matmul %select_n3A, %select_n3A_53, %dot_general3A_54 {dimension_numbers = #tpu.dot_dimension_numbers<[1], [0], [0], [1], [0, 0, 1, 1], [], []>, transpose_lhs_hint = false} : vector<512x2048xf32>, vector<2048x128xf32>, vector<512x128xf32> -> vector<512x128xf32>
    %add3A_56 = arith.constant 256 : i32
    %add3A_57 = vector.broadcast %add3A_56 : i32 to vector<2048x128xi32>
    %add3A_58 = arith.addi %add3A_57, %iota3A_33 : vector<2048x128xi32>
    %le3A_59 = arith.cmpi sle, %iota3A, %add3A_58 : vector<2048x128xi32>
    %jit3A_60 = arith.constant 1.000000e+00 : f32
    %jit3A_61 = arith.constant 0.000000e+00 : f32
    %broadcast_in_dim3A_62 = vector.broadcast %jit3A_60 : f32 to vector<2048x128xf32>
    %broadcast_in_dim3A_63 = vector.broadcast %jit3A_61 : f32 to vector<2048x128xf32>
    %select_n3A_64 = arith.select %le3A_59, %broadcast_in_dim3A_62, %broadcast_in_dim3A_63 : vector<2048x128xi1>, vector<2048x128xf32>
    %dot_general3A_65 = arith.constant dense<0.000000e+00> : vector<512x128xf32>
    %dot_general3A_66 = tpu.matmul %select_n3A, %select_n3A_64, %dot_general3A_65 {dimension_numbers = #tpu.dot_dimension_numbers<[1], [0], [0], [1], [0, 0, 1, 1], [], []>, transpose_lhs_hint = false} : vector<512x2048xf32>, vector<2048x128xf32>, vector<512x128xf32> -> vector<512x128xf32>
    %add3A_67 = arith.constant 384 : i32
    %add3A_68 = vector.broadcast %add3A_67 : i32 to vector<2048x128xi32>
    %add3A_69 = arith.addi %add3A_68, %iota3A_33 : vector<2048x128xi32>
    %le3A_70 = arith.cmpi sle, %iota3A, %add3A_69 : vector<2048x128xi32>
    %jit3A_71 = arith.constant 1.000000e+00 : f32
    %jit3A_72 = arith.constant 0.000000e+00 : f32
    %broadcast_in_dim3A_73 = vector.broadcast %jit3A_71 : f32 to vector<2048x128xf32>
    %broadcast_in_dim3A_74 = vector.broadcast %jit3A_72 : f32 to vector<2048x128xf32>
    %select_n3A_75 = arith.select %le3A_70, %broadcast_in_dim3A_73, %broadcast_in_dim3A_74 : vector<2048x128xi1>, vector<2048x128xf32>
    %dot_general3A_76 = arith.constant dense<0.000000e+00> : vector<512x128xf32>
    %dot_general3A_77 = tpu.matmul %select_n3A, %select_n3A_75, %dot_general3A_76 {dimension_numbers = #tpu.dot_dimension_numbers<[1], [0], [0], [1], [0, 0, 1, 1], [], []>, transpose_lhs_hint = false} : vector<512x2048xf32>, vector<2048x128xf32>, vector<512x128xf32> -> vector<512x128xf32>
    %add3A_78 = arith.constant 512 : i32
    %add3A_79 = vector.broadcast %add3A_78 : i32 to vector<2048x128xi32>
    %add3A_80 = arith.addi %add3A_79, %iota3A_33 : vector<2048x128xi32>
    %le3A_81 = arith.cmpi sle, %iota3A, %add3A_80 : vector<2048x128xi32>
    %jit3A_82 = arith.constant 1.000000e+00 : f32
    %jit3A_83 = arith.constant 0.000000e+00 : f32
    %broadcast_in_dim3A_84 = vector.broadcast %jit3A_82 : f32 to vector<2048x128xf32>
    %broadcast_in_dim3A_85 = vector.broadcast %jit3A_83 : f32 to vector<2048x128xf32>
    %select_n3A_86 = arith.select %le3A_81, %broadcast_in_dim3A_84, %broadcast_in_dim3A_85 : vector<2048x128xi1>, vector<2048x128xf32>
    %dot_general3A_87 = arith.constant dense<0.000000e+00> : vector<512x128xf32>
    %dot_general3A_88 = tpu.matmul %select_n3A, %select_n3A_86, %dot_general3A_87 {dimension_numbers = #tpu.dot_dimension_numbers<[1], [0], [0], [1], [0, 0, 1, 1], [], []>, transpose_lhs_hint = false} : vector<512x2048xf32>, vector<2048x128xf32>, vector<512x128xf32> -> vector<512x128xf32>
    %add3A_89 = arith.constant 640 : i32
    %add3A_90 = vector.broadcast %add3A_89 : i32 to vector<2048x128xi32>
    %add3A_91 = arith.addi %add3A_90, %iota3A_33 : vector<2048x128xi32>
    %le3A_92 = arith.cmpi sle, %iota3A, %add3A_91 : vector<2048x128xi32>
    %jit3A_93 = arith.constant 1.000000e+00 : f32
    %jit3A_94 = arith.constant 0.000000e+00 : f32
    %broadcast_in_dim3A_95 = vector.broadcast %jit3A_93 : f32 to vector<2048x128xf32>
    %broadcast_in_dim3A_96 = vector.broadcast %jit3A_94 : f32 to vector<2048x128xf32>
    %select_n3A_97 = arith.select %le3A_92, %broadcast_in_dim3A_95, %broadcast_in_dim3A_96 : vector<2048x128xi1>, vector<2048x128xf32>
    %dot_general3A_98 = arith.constant dense<0.000000e+00> : vector<512x128xf32>
    %dot_general3A_99 = tpu.matmul %select_n3A, %select_n3A_97, %dot_general3A_98 {dimension_numbers = #tpu.dot_dimension_numbers<[1], [0], [0], [1], [0, 0, 1, 1], [], []>, transpose_lhs_hint = false} : vector<512x2048xf32>, vector<2048x128xf32>, vector<512x128xf32> -> vector<512x128xf32>
    %add3A_100 = arith.constant 768 : i32
    %add3A_101 = vector.broadcast %add3A_100 : i32 to vector<2048x128xi32>
    %add3A_102 = arith.addi %add3A_101, %iota3A_33 : vector<2048x128xi32>
    %le3A_103 = arith.cmpi sle, %iota3A, %add3A_102 : vector<2048x128xi32>
    %jit3A_104 = arith.constant 1.000000e+00 : f32
    %jit3A_105 = arith.constant 0.000000e+00 : f32
    %broadcast_in_dim3A_106 = vector.broadcast %jit3A_104 : f32 to vector<2048x128xf32>
    %broadcast_in_dim3A_107 = vector.broadcast %jit3A_105 : f32 to vector<2048x128xf32>
    %select_n3A_108 = arith.select %le3A_103, %broadcast_in_dim3A_106, %broadcast_in_dim3A_107 : vector<2048x128xi1>, vector<2048x128xf32>
    %dot_general3A_109 = arith.constant dense<0.000000e+00> : vector<512x128xf32>
    %dot_general3A_110 = tpu.matmul %select_n3A, %select_n3A_108, %dot_general3A_109 {dimension_numbers = #tpu.dot_dimension_numbers<[1], [0], [0], [1], [0, 0, 1, 1], [], []>, transpose_lhs_hint = false} : vector<512x2048xf32>, vector<2048x128xf32>, vector<512x128xf32> -> vector<512x128xf32>
    %add3A_111 = arith.constant 896 : i32
    %add3A_112 = vector.broadcast %add3A_111 : i32 to vector<2048x128xi32>
    %add3A_113 = arith.addi %add3A_112, %iota3A_33 : vector<2048x128xi32>
    %le3A_114 = arith.cmpi sle, %iota3A, %add3A_113 : vector<2048x128xi32>
    %jit3A_115 = arith.constant 1.000000e+00 : f32
    %jit3A_116 = arith.constant 0.000000e+00 : f32
    %broadcast_in_dim3A_117 = vector.broadcast %jit3A_115 : f32 to vector<2048x128xf32>
    %broadcast_in_dim3A_118 = vector.broadcast %jit3A_116 : f32 to vector<2048x128xf32>
    %select_n3A_119 = arith.select %le3A_114, %broadcast_in_dim3A_117, %broadcast_in_dim3A_118 : vector<2048x128xi1>, vector<2048x128xf32>
    %dot_general3A_120 = arith.constant dense<0.000000e+00> : vector<512x128xf32>
    %dot_general3A_121 = tpu.matmul %select_n3A, %select_n3A_119, %dot_general3A_120 {dimension_numbers = #tpu.dot_dimension_numbers<[1], [0], [0], [1], [0, 0, 1, 1], [], []>, transpose_lhs_hint = false} : vector<512x2048xf32>, vector<2048x128xf32>, vector<512x128xf32> -> vector<512x128xf32>
    %add3A_122 = arith.constant 1024 : i32
    %add3A_123 = vector.broadcast %add3A_122 : i32 to vector<2048x128xi32>
    %add3A_124 = arith.addi %add3A_123, %iota3A_33 : vector<2048x128xi32>
    %le3A_125 = arith.cmpi sle, %iota3A, %add3A_124 : vector<2048x128xi32>
    %jit3A_126 = arith.constant 1.000000e+00 : f32
    %jit3A_127 = arith.constant 0.000000e+00 : f32
    %broadcast_in_dim3A_128 = vector.broadcast %jit3A_126 : f32 to vector<2048x128xf32>
    %broadcast_in_dim3A_129 = vector.broadcast %jit3A_127 : f32 to vector<2048x128xf32>
    %select_n3A_130 = arith.select %le3A_125, %broadcast_in_dim3A_128, %broadcast_in_dim3A_129 : vector<2048x128xi1>, vector<2048x128xf32>
    %dot_general3A_131 = arith.constant dense<0.000000e+00> : vector<512x128xf32>
    %dot_general3A_132 = tpu.matmul %select_n3A, %select_n3A_130, %dot_general3A_131 {dimension_numbers = #tpu.dot_dimension_numbers<[1], [0], [0], [1], [0, 0, 1, 1], [], []>, transpose_lhs_hint = false} : vector<512x2048xf32>, vector<2048x128xf32>, vector<512x128xf32> -> vector<512x128xf32>
    %add3A_133 = arith.constant 1152 : i32
    %add3A_134 = vector.broadcast %add3A_133 : i32 to vector<2048x128xi32>
    %add3A_135 = arith.addi %add3A_134, %iota3A_33 : vector<2048x128xi32>
    %le3A_136 = arith.cmpi sle, %iota3A, %add3A_135 : vector<2048x128xi32>
    %jit3A_137 = arith.constant 1.000000e+00 : f32
    %jit3A_138 = arith.constant 0.000000e+00 : f32
    %broadcast_in_dim3A_139 = vector.broadcast %jit3A_137 : f32 to vector<2048x128xf32>
    %broadcast_in_dim3A_140 = vector.broadcast %jit3A_138 : f32 to vector<2048x128xf32>
    %select_n3A_141 = arith.select %le3A_136, %broadcast_in_dim3A_139, %broadcast_in_dim3A_140 : vector<2048x128xi1>, vector<2048x128xf32>
    %dot_general3A_142 = arith.constant dense<0.000000e+00> : vector<512x128xf32>
    %dot_general3A_143 = tpu.matmul %select_n3A, %select_n3A_141, %dot_general3A_142 {dimension_numbers = #tpu.dot_dimension_numbers<[1], [0], [0], [1], [0, 0, 1, 1], [], []>, transpose_lhs_hint = false} : vector<512x2048xf32>, vector<2048x128xf32>, vector<512x128xf32> -> vector<512x128xf32>
    %add3A_144 = arith.constant 1280 : i32
    %add3A_145 = vector.broadcast %add3A_144 : i32 to vector<2048x128xi32>
    %add3A_146 = arith.addi %add3A_145, %iota3A_33 : vector<2048x128xi32>
    %le3A_147 = arith.cmpi sle, %iota3A, %add3A_146 : vector<2048x128xi32>
    %jit3A_148 = arith.constant 1.000000e+00 : f32
    %jit3A_149 = arith.constant 0.000000e+00 : f32
    %broadcast_in_dim3A_150 = vector.broadcast %jit3A_148 : f32 to vector<2048x128xf32>
    %broadcast_in_dim3A_151 = vector.broadcast %jit3A_149 : f32 to vector<2048x128xf32>
    %select_n3A_152 = arith.select %le3A_147, %broadcast_in_dim3A_150, %broadcast_in_dim3A_151 : vector<2048x128xi1>, vector<2048x128xf32>
    %dot_general3A_153 = arith.constant dense<0.000000e+00> : vector<512x128xf32>
    %dot_general3A_154 = tpu.matmul %select_n3A, %select_n3A_152, %dot_general3A_153 {dimension_numbers = #tpu.dot_dimension_numbers<[1], [0], [0], [1], [0, 0, 1, 1], [], []>, transpose_lhs_hint = false} : vector<512x2048xf32>, vector<2048x128xf32>, vector<512x128xf32> -> vector<512x128xf32>
    %add3A_155 = arith.constant 1408 : i32
    %add3A_156 = vector.broadcast %add3A_155 : i32 to vector<2048x128xi32>
    %add3A_157 = arith.addi %add3A_156, %iota3A_33 : vector<2048x128xi32>
    %le3A_158 = arith.cmpi sle, %iota3A, %add3A_157 : vector<2048x128xi32>
    %jit3A_159 = arith.constant 1.000000e+00 : f32
    %jit3A_160 = arith.constant 0.000000e+00 : f32
    %broadcast_in_dim3A_161 = vector.broadcast %jit3A_159 : f32 to vector<2048x128xf32>
    %broadcast_in_dim3A_162 = vector.broadcast %jit3A_160 : f32 to vector<2048x128xf32>
    %select_n3A_163 = arith.select %le3A_158, %broadcast_in_dim3A_161, %broadcast_in_dim3A_162 : vector<2048x128xi1>, vector<2048x128xf32>
    %dot_general3A_164 = arith.constant dense<0.000000e+00> : vector<512x128xf32>
    %dot_general3A_165 = tpu.matmul %select_n3A, %select_n3A_163, %dot_general3A_164 {dimension_numbers = #tpu.dot_dimension_numbers<[1], [0], [0], [1], [0, 0, 1, 1], [], []>, transpose_lhs_hint = false} : vector<512x2048xf32>, vector<2048x128xf32>, vector<512x128xf32> -> vector<512x128xf32>
    %add3A_166 = arith.constant 1536 : i32
    %add3A_167 = vector.broadcast %add3A_166 : i32 to vector<2048x128xi32>
    %add3A_168 = arith.addi %add3A_167, %iota3A_33 : vector<2048x128xi32>
    %le3A_169 = arith.cmpi sle, %iota3A, %add3A_168 : vector<2048x128xi32>
    %jit3A_170 = arith.constant 1.000000e+00 : f32
    %jit3A_171 = arith.constant 0.000000e+00 : f32
    %broadcast_in_dim3A_172 = vector.broadcast %jit3A_170 : f32 to vector<2048x128xf32>
    %broadcast_in_dim3A_173 = vector.broadcast %jit3A_171 : f32 to vector<2048x128xf32>
    %select_n3A_174 = arith.select %le3A_169, %broadcast_in_dim3A_172, %broadcast_in_dim3A_173 : vector<2048x128xi1>, vector<2048x128xf32>
    %dot_general3A_175 = arith.constant dense<0.000000e+00> : vector<512x128xf32>
    %dot_general3A_176 = tpu.matmul %select_n3A, %select_n3A_174, %dot_general3A_175 {dimension_numbers = #tpu.dot_dimension_numbers<[1], [0], [0], [1], [0, 0, 1, 1], [], []>, transpose_lhs_hint = false} : vector<512x2048xf32>, vector<2048x128xf32>, vector<512x128xf32> -> vector<512x128xf32>
    %add3A_177 = arith.constant 1664 : i32
    %add3A_178 = vector.broadcast %add3A_177 : i32 to vector<2048x128xi32>
    %add3A_179 = arith.addi %add3A_178, %iota3A_33 : vector<2048x128xi32>
    %le3A_180 = arith.cmpi sle, %iota3A, %add3A_179 : vector<2048x128xi32>
    %jit3A_181 = arith.constant 1.000000e+00 : f32
    %jit3A_182 = arith.constant 0.000000e+00 : f32
    %broadcast_in_dim3A_183 = vector.broadcast %jit3A_181 : f32 to vector<2048x128xf32>
    %broadcast_in_dim3A_184 = vector.broadcast %jit3A_182 : f32 to vector<2048x128xf32>
    %select_n3A_185 = arith.select %le3A_180, %broadcast_in_dim3A_183, %broadcast_in_dim3A_184 : vector<2048x128xi1>, vector<2048x128xf32>
    %dot_general3A_186 = arith.constant dense<0.000000e+00> : vector<512x128xf32>
    %dot_general3A_187 = tpu.matmul %select_n3A, %select_n3A_185, %dot_general3A_186 {dimension_numbers = #tpu.dot_dimension_numbers<[1], [0], [0], [1], [0, 0, 1, 1], [], []>, transpose_lhs_hint = false} : vector<512x2048xf32>, vector<2048x128xf32>, vector<512x128xf32> -> vector<512x128xf32>
    %add3A_188 = arith.constant 1792 : i32
    %add3A_189 = vector.broadcast %add3A_188 : i32 to vector<2048x128xi32>
    %add3A_190 = arith.addi %add3A_189, %iota3A_33 : vector<2048x128xi32>
    %le3A_191 = arith.cmpi sle, %iota3A, %add3A_190 : vector<2048x128xi32>
    %jit3A_192 = arith.constant 1.000000e+00 : f32
    %jit3A_193 = arith.constant 0.000000e+00 : f32
    %broadcast_in_dim3A_194 = vector.broadcast %jit3A_192 : f32 to vector<2048x128xf32>
    %broadcast_in_dim3A_195 = vector.broadcast %jit3A_193 : f32 to vector<2048x128xf32>
    %select_n3A_196 = arith.select %le3A_191, %broadcast_in_dim3A_194, %broadcast_in_dim3A_195 : vector<2048x128xi1>, vector<2048x128xf32>
    %dot_general3A_197 = arith.constant dense<0.000000e+00> : vector<512x128xf32>
    %dot_general3A_198 = tpu.matmul %select_n3A, %select_n3A_196, %dot_general3A_197 {dimension_numbers = #tpu.dot_dimension_numbers<[1], [0], [0], [1], [0, 0, 1, 1], [], []>, transpose_lhs_hint = false} : vector<512x2048xf32>, vector<2048x128xf32>, vector<512x128xf32> -> vector<512x128xf32>
    %add3A_199 = arith.constant 1920 : i32
    %add3A_200 = vector.broadcast %add3A_199 : i32 to vector<2048x128xi32>
    %add3A_201 = arith.addi %add3A_200, %iota3A_33 : vector<2048x128xi32>
    %le3A_202 = arith.cmpi sle, %iota3A, %add3A_201 : vector<2048x128xi32>
    %jit3A_203 = arith.constant 1.000000e+00 : f32
    %jit3A_204 = arith.constant 0.000000e+00 : f32
    %broadcast_in_dim3A_205 = vector.broadcast %jit3A_203 : f32 to vector<2048x128xf32>
    %broadcast_in_dim3A_206 = vector.broadcast %jit3A_204 : f32 to vector<2048x128xf32>
    %select_n3A_207 = arith.select %le3A_202, %broadcast_in_dim3A_205, %broadcast_in_dim3A_206 : vector<2048x128xi1>, vector<2048x128xf32>
    %dot_general3A_208 = arith.constant dense<0.000000e+00> : vector<512x128xf32>
    %dot_general3A_209 = tpu.matmul %select_n3A, %select_n3A_207, %dot_general3A_208 {dimension_numbers = #tpu.dot_dimension_numbers<[1], [0], [0], [1], [0, 0, 1, 1], [], []>, transpose_lhs_hint = false} : vector<512x2048xf32>, vector<2048x128xf32>, vector<512x128xf32> -> vector<512x128xf32>
    %concatenate3A = tpu.concatenate %dot_general3A_44, %dot_general3A_55, %dot_general3A_66, %dot_general3A_77, %dot_general3A_88, %dot_general3A_99, %dot_general3A_110, %dot_general3A_121, %dot_general3A_132, %dot_general3A_143, %dot_general3A_154, %dot_general3A_165, %dot_general3A_176, %dot_general3A_187, %dot_general3A_198, %dot_general3A_209 in 1 : vector<512x128xf32>, vector<512x128xf32>, vector<512x128xf32>, vector<512x128xf32>, vector<512x128xf32>, vector<512x128xf32>, vector<512x128xf32>, vector<512x128xf32>, vector<512x128xf32>, vector<512x128xf32>, vector<512x128xf32>, vector<512x128xf32>, vector<512x128xf32>, vector<512x128xf32>, vector<512x128xf32>, vector<512x128xf32> -> vector<512x2048xf32>
    %convert_element_type3A = arith.fptosi %concatenate3A : vector<512x2048xf32> to vector<512x2048xi32>
    %le3A_210 = arith.constant 32 : i32
    %le3A_211 = vector.broadcast %le3A_210 : i32 to vector<512x2048xi32>
    %le3A_212 = arith.cmpi sle, %convert_element_type3A, %le3A_211 : vector<512x2048xi32>
    %and3A = arith.andi %le3A_29, %le3A_212 : vector<512x2048xi1>
    %jit3A_213 = arith.constant 0 : i32
    %broadcast_in_dim3A_214 = vector.broadcast %jit3A_213 : i32 to vector<512x2048xi32>
    %select_n3A_215 = arith.select %and3A, %convert_element_type3A, %broadcast_in_dim3A_214 : vector<512x2048xi1>, vector<512x2048xi32>
    %reduce_min3A = arith.constant dense<0x7F800000> : vector<512xf32>
    %reduce_min3A_216 = vector.multi_reduction <minimumf>, %sqrt3A, %reduce_min3A [1] : vector<512x2048xf32> to vector<512xf32>
    %broadcast_in_dim3A_217 = vector.shape_cast %reduce_min3A_216 : vector<512xf32> to vector<512x1xf32>
    %iota3A_218 = tpu.iota {dimensions = array<i32: 1>} : vector<512x2048xi32>
    %eq3A = vector.broadcast %broadcast_in_dim3A_217 : vector<512x1xf32> to vector<512x2048xf32>
    %eq3A_219 = arith.cmpf oeq, %sqrt3A, %eq3A : vector<512x2048xf32>
    %jit3A_220 = arith.constant 2048 : i32
    %broadcast_in_dim3A_221 = vector.broadcast %jit3A_220 : i32 to vector<512x2048xi32>
    %select_n3A_222 = arith.select %eq3A_219, %iota3A_218, %broadcast_in_dim3A_221 : vector<512x2048xi1>, vector<512x2048xi32>
    %reduce_min3A_223 = arith.constant dense<2147483647> : vector<512xi32>
    %reduce_min3A_224 = vector.multi_reduction <minsi>, %select_n3A_222, %reduce_min3A_223 [1] : vector<512x2048xi32> to vector<512xi32>
    %broadcast_in_dim3A_225 = vector.shape_cast %reduce_min3A_224 : vector<512xi32> to vector<512x1xi32>
    %eq3A_226 = arith.constant 1 : i32
    %eq3A_227 = vector.broadcast %eq3A_226 : i32 to vector<512x2048xi32>
    %eq3A_228 = arith.cmpi eq, %select_n3A_215, %eq3A_227 : vector<512x2048xi32>
    %jit3A_229 = arith.constant -1 : i32
    %broadcast_in_dim3A_230 = vector.broadcast %jit3A_229 : i32 to vector<512x2048xi32>
    %select_n3A_231 = arith.select %eq3A_228, %iota3A_218, %broadcast_in_dim3A_230 : vector<512x2048xi1>, vector<512x2048xi32>
    %reduce_max3A = arith.constant dense<-2147483648> : vector<512xi32>
    %reduce_max3A_232 = vector.multi_reduction <maxsi>, %select_n3A_231, %reduce_max3A [1] : vector<512x2048xi32> to vector<512xi32>
    %broadcast_in_dim3A_233 = vector.shape_cast %reduce_max3A_232 : vector<512xi32> to vector<512x1xi32>
    %lt3A = arith.constant 0 : i32
    %lt3A_234 = vector.broadcast %lt3A : i32 to vector<512x1xi32>
    %lt3A_235 = arith.cmpi slt, %broadcast_in_dim3A_233, %lt3A_234 : vector<512x1xi32>
    %select_n3A_236 = arith.select %lt3A_235, %broadcast_in_dim3A_225, %broadcast_in_dim3A_233 : vector<512x1xi1>, vector<512x1xi32>
    %eq3A_237 = arith.constant 2 : i32
    %eq3A_238 = vector.broadcast %eq3A_237 : i32 to vector<512x2048xi32>
    %eq3A_239 = arith.cmpi eq, %select_n3A_215, %eq3A_238 : vector<512x2048xi32>
    %jit3A_240 = arith.constant -1 : i32
    %broadcast_in_dim3A_241 = vector.broadcast %jit3A_240 : i32 to vector<512x2048xi32>
    %select_n3A_242 = arith.select %eq3A_239, %iota3A_218, %broadcast_in_dim3A_241 : vector<512x2048xi1>, vector<512x2048xi32>
    %reduce_max3A_243 = arith.constant dense<-2147483648> : vector<512xi32>
    %reduce_max3A_244 = vector.multi_reduction <maxsi>, %select_n3A_242, %reduce_max3A_243 [1] : vector<512x2048xi32> to vector<512xi32>
    %broadcast_in_dim3A_245 = vector.shape_cast %reduce_max3A_244 : vector<512xi32> to vector<512x1xi32>
    %lt3A_246 = arith.constant 0 : i32
    %lt3A_247 = vector.broadcast %lt3A_246 : i32 to vector<512x1xi32>
    %lt3A_248 = arith.cmpi slt, %broadcast_in_dim3A_245, %lt3A_247 : vector<512x1xi32>
    %select_n3A_249 = arith.select %lt3A_248, %broadcast_in_dim3A_225, %broadcast_in_dim3A_245 : vector<512x1xi1>, vector<512x1xi32>
    %eq3A_250 = arith.constant 3 : i32
    %eq3A_251 = vector.broadcast %eq3A_250 : i32 to vector<512x2048xi32>
    %eq3A_252 = arith.cmpi eq, %select_n3A_215, %eq3A_251 : vector<512x2048xi32>
    %jit3A_253 = arith.constant -1 : i32
    %broadcast_in_dim3A_254 = vector.broadcast %jit3A_253 : i32 to vector<512x2048xi32>
    %select_n3A_255 = arith.select %eq3A_252, %iota3A_218, %broadcast_in_dim3A_254 : vector<512x2048xi1>, vector<512x2048xi32>
    %reduce_max3A_256 = arith.constant dense<-2147483648> : vector<512xi32>
    %reduce_max3A_257 = vector.multi_reduction <maxsi>, %select_n3A_255, %reduce_max3A_256 [1] : vector<512x2048xi32> to vector<512xi32>
    %broadcast_in_dim3A_258 = vector.shape_cast %reduce_max3A_257 : vector<512xi32> to vector<512x1xi32>
    %lt3A_259 = arith.constant 0 : i32
    %lt3A_260 = vector.broadcast %lt3A_259 : i32 to vector<512x1xi32>
    %lt3A_261 = arith.cmpi slt, %broadcast_in_dim3A_258, %lt3A_260 : vector<512x1xi32>
    %select_n3A_262 = arith.select %lt3A_261, %broadcast_in_dim3A_225, %broadcast_in_dim3A_258 : vector<512x1xi1>, vector<512x1xi32>
    %eq3A_263 = arith.constant 4 : i32
    %eq3A_264 = vector.broadcast %eq3A_263 : i32 to vector<512x2048xi32>
    %eq3A_265 = arith.cmpi eq, %select_n3A_215, %eq3A_264 : vector<512x2048xi32>
    %jit3A_266 = arith.constant -1 : i32
    %broadcast_in_dim3A_267 = vector.broadcast %jit3A_266 : i32 to vector<512x2048xi32>
    %select_n3A_268 = arith.select %eq3A_265, %iota3A_218, %broadcast_in_dim3A_267 : vector<512x2048xi1>, vector<512x2048xi32>
    %reduce_max3A_269 = arith.constant dense<-2147483648> : vector<512xi32>
    %reduce_max3A_270 = vector.multi_reduction <maxsi>, %select_n3A_268, %reduce_max3A_269 [1] : vector<512x2048xi32> to vector<512xi32>
    %broadcast_in_dim3A_271 = vector.shape_cast %reduce_max3A_270 : vector<512xi32> to vector<512x1xi32>
    %lt3A_272 = arith.constant 0 : i32
    %lt3A_273 = vector.broadcast %lt3A_272 : i32 to vector<512x1xi32>
    %lt3A_274 = arith.cmpi slt, %broadcast_in_dim3A_271, %lt3A_273 : vector<512x1xi32>
    %select_n3A_275 = arith.select %lt3A_274, %broadcast_in_dim3A_225, %broadcast_in_dim3A_271 : vector<512x1xi1>, vector<512x1xi32>
    %eq3A_276 = arith.constant 5 : i32
    %eq3A_277 = vector.broadcast %eq3A_276 : i32 to vector<512x2048xi32>
    %eq3A_278 = arith.cmpi eq, %select_n3A_215, %eq3A_277 : vector<512x2048xi32>
    %jit3A_279 = arith.constant -1 : i32
    %broadcast_in_dim3A_280 = vector.broadcast %jit3A_279 : i32 to vector<512x2048xi32>
    %select_n3A_281 = arith.select %eq3A_278, %iota3A_218, %broadcast_in_dim3A_280 : vector<512x2048xi1>, vector<512x2048xi32>
    %reduce_max3A_282 = arith.constant dense<-2147483648> : vector<512xi32>
    %reduce_max3A_283 = vector.multi_reduction <maxsi>, %select_n3A_281, %reduce_max3A_282 [1] : vector<512x2048xi32> to vector<512xi32>
    %broadcast_in_dim3A_284 = vector.shape_cast %reduce_max3A_283 : vector<512xi32> to vector<512x1xi32>
    %lt3A_285 = arith.constant 0 : i32
    %lt3A_286 = vector.broadcast %lt3A_285 : i32 to vector<512x1xi32>
    %lt3A_287 = arith.cmpi slt, %broadcast_in_dim3A_284, %lt3A_286 : vector<512x1xi32>
    %select_n3A_288 = arith.select %lt3A_287, %broadcast_in_dim3A_225, %broadcast_in_dim3A_284 : vector<512x1xi1>, vector<512x1xi32>
    %eq3A_289 = arith.constant 6 : i32
    %eq3A_290 = vector.broadcast %eq3A_289 : i32 to vector<512x2048xi32>
    %eq3A_291 = arith.cmpi eq, %select_n3A_215, %eq3A_290 : vector<512x2048xi32>
    %jit3A_292 = arith.constant -1 : i32
    %broadcast_in_dim3A_293 = vector.broadcast %jit3A_292 : i32 to vector<512x2048xi32>
    %select_n3A_294 = arith.select %eq3A_291, %iota3A_218, %broadcast_in_dim3A_293 : vector<512x2048xi1>, vector<512x2048xi32>
    %reduce_max3A_295 = arith.constant dense<-2147483648> : vector<512xi32>
    %reduce_max3A_296 = vector.multi_reduction <maxsi>, %select_n3A_294, %reduce_max3A_295 [1] : vector<512x2048xi32> to vector<512xi32>
    %broadcast_in_dim3A_297 = vector.shape_cast %reduce_max3A_296 : vector<512xi32> to vector<512x1xi32>
    %lt3A_298 = arith.constant 0 : i32
    %lt3A_299 = vector.broadcast %lt3A_298 : i32 to vector<512x1xi32>
    %lt3A_300 = arith.cmpi slt, %broadcast_in_dim3A_297, %lt3A_299 : vector<512x1xi32>
    %select_n3A_301 = arith.select %lt3A_300, %broadcast_in_dim3A_225, %broadcast_in_dim3A_297 : vector<512x1xi1>, vector<512x1xi32>
    %eq3A_302 = arith.constant 7 : i32
    %eq3A_303 = vector.broadcast %eq3A_302 : i32 to vector<512x2048xi32>
    %eq3A_304 = arith.cmpi eq, %select_n3A_215, %eq3A_303 : vector<512x2048xi32>
    %jit3A_305 = arith.constant -1 : i32
    %broadcast_in_dim3A_306 = vector.broadcast %jit3A_305 : i32 to vector<512x2048xi32>
    %select_n3A_307 = arith.select %eq3A_304, %iota3A_218, %broadcast_in_dim3A_306 : vector<512x2048xi1>, vector<512x2048xi32>
    %reduce_max3A_308 = arith.constant dense<-2147483648> : vector<512xi32>
    %reduce_max3A_309 = vector.multi_reduction <maxsi>, %select_n3A_307, %reduce_max3A_308 [1] : vector<512x2048xi32> to vector<512xi32>
    %broadcast_in_dim3A_310 = vector.shape_cast %reduce_max3A_309 : vector<512xi32> to vector<512x1xi32>
    %lt3A_311 = arith.constant 0 : i32
    %lt3A_312 = vector.broadcast %lt3A_311 : i32 to vector<512x1xi32>
    %lt3A_313 = arith.cmpi slt, %broadcast_in_dim3A_310, %lt3A_312 : vector<512x1xi32>
    %select_n3A_314 = arith.select %lt3A_313, %broadcast_in_dim3A_225, %broadcast_in_dim3A_310 : vector<512x1xi1>, vector<512x1xi32>
    %eq3A_315 = arith.constant 8 : i32
    %eq3A_316 = vector.broadcast %eq3A_315 : i32 to vector<512x2048xi32>
    %eq3A_317 = arith.cmpi eq, %select_n3A_215, %eq3A_316 : vector<512x2048xi32>
    %jit3A_318 = arith.constant -1 : i32
    %broadcast_in_dim3A_319 = vector.broadcast %jit3A_318 : i32 to vector<512x2048xi32>
    %select_n3A_320 = arith.select %eq3A_317, %iota3A_218, %broadcast_in_dim3A_319 : vector<512x2048xi1>, vector<512x2048xi32>
    %reduce_max3A_321 = arith.constant dense<-2147483648> : vector<512xi32>
    %reduce_max3A_322 = vector.multi_reduction <maxsi>, %select_n3A_320, %reduce_max3A_321 [1] : vector<512x2048xi32> to vector<512xi32>
    %broadcast_in_dim3A_323 = vector.shape_cast %reduce_max3A_322 : vector<512xi32> to vector<512x1xi32>
    %lt3A_324 = arith.constant 0 : i32
    %lt3A_325 = vector.broadcast %lt3A_324 : i32 to vector<512x1xi32>
    %lt3A_326 = arith.cmpi slt, %broadcast_in_dim3A_323, %lt3A_325 : vector<512x1xi32>
    %select_n3A_327 = arith.select %lt3A_326, %broadcast_in_dim3A_225, %broadcast_in_dim3A_323 : vector<512x1xi1>, vector<512x1xi32>
    %eq3A_328 = arith.constant 9 : i32
    %eq3A_329 = vector.broadcast %eq3A_328 : i32 to vector<512x2048xi32>
    %eq3A_330 = arith.cmpi eq, %select_n3A_215, %eq3A_329 : vector<512x2048xi32>
    %jit3A_331 = arith.constant -1 : i32
    %broadcast_in_dim3A_332 = vector.broadcast %jit3A_331 : i32 to vector<512x2048xi32>
    %select_n3A_333 = arith.select %eq3A_330, %iota3A_218, %broadcast_in_dim3A_332 : vector<512x2048xi1>, vector<512x2048xi32>
    %reduce_max3A_334 = arith.constant dense<-2147483648> : vector<512xi32>
    %reduce_max3A_335 = vector.multi_reduction <maxsi>, %select_n3A_333, %reduce_max3A_334 [1] : vector<512x2048xi32> to vector<512xi32>
    %broadcast_in_dim3A_336 = vector.shape_cast %reduce_max3A_335 : vector<512xi32> to vector<512x1xi32>
    %lt3A_337 = arith.constant 0 : i32
    %lt3A_338 = vector.broadcast %lt3A_337 : i32 to vector<512x1xi32>
    %lt3A_339 = arith.cmpi slt, %broadcast_in_dim3A_336, %lt3A_338 : vector<512x1xi32>
    %select_n3A_340 = arith.select %lt3A_339, %broadcast_in_dim3A_225, %broadcast_in_dim3A_336 : vector<512x1xi1>, vector<512x1xi32>
    %eq3A_341 = arith.constant 10 : i32
    %eq3A_342 = vector.broadcast %eq3A_341 : i32 to vector<512x2048xi32>
    %eq3A_343 = arith.cmpi eq, %select_n3A_215, %eq3A_342 : vector<512x2048xi32>
    %jit3A_344 = arith.constant -1 : i32
    %broadcast_in_dim3A_345 = vector.broadcast %jit3A_344 : i32 to vector<512x2048xi32>
    %select_n3A_346 = arith.select %eq3A_343, %iota3A_218, %broadcast_in_dim3A_345 : vector<512x2048xi1>, vector<512x2048xi32>
    %reduce_max3A_347 = arith.constant dense<-2147483648> : vector<512xi32>
    %reduce_max3A_348 = vector.multi_reduction <maxsi>, %select_n3A_346, %reduce_max3A_347 [1] : vector<512x2048xi32> to vector<512xi32>
    %broadcast_in_dim3A_349 = vector.shape_cast %reduce_max3A_348 : vector<512xi32> to vector<512x1xi32>
    %lt3A_350 = arith.constant 0 : i32
    %lt3A_351 = vector.broadcast %lt3A_350 : i32 to vector<512x1xi32>
    %lt3A_352 = arith.cmpi slt, %broadcast_in_dim3A_349, %lt3A_351 : vector<512x1xi32>
    %select_n3A_353 = arith.select %lt3A_352, %broadcast_in_dim3A_225, %broadcast_in_dim3A_349 : vector<512x1xi1>, vector<512x1xi32>
    %eq3A_354 = arith.constant 11 : i32
    %eq3A_355 = vector.broadcast %eq3A_354 : i32 to vector<512x2048xi32>
    %eq3A_356 = arith.cmpi eq, %select_n3A_215, %eq3A_355 : vector<512x2048xi32>
    %jit3A_357 = arith.constant -1 : i32
    %broadcast_in_dim3A_358 = vector.broadcast %jit3A_357 : i32 to vector<512x2048xi32>
    %select_n3A_359 = arith.select %eq3A_356, %iota3A_218, %broadcast_in_dim3A_358 : vector<512x2048xi1>, vector<512x2048xi32>
    %reduce_max3A_360 = arith.constant dense<-2147483648> : vector<512xi32>
    %reduce_max3A_361 = vector.multi_reduction <maxsi>, %select_n3A_359, %reduce_max3A_360 [1] : vector<512x2048xi32> to vector<512xi32>
    %broadcast_in_dim3A_362 = vector.shape_cast %reduce_max3A_361 : vector<512xi32> to vector<512x1xi32>
    %lt3A_363 = arith.constant 0 : i32
    %lt3A_364 = vector.broadcast %lt3A_363 : i32 to vector<512x1xi32>
    %lt3A_365 = arith.cmpi slt, %broadcast_in_dim3A_362, %lt3A_364 : vector<512x1xi32>
    %select_n3A_366 = arith.select %lt3A_365, %broadcast_in_dim3A_225, %broadcast_in_dim3A_362 : vector<512x1xi1>, vector<512x1xi32>
    %eq3A_367 = arith.constant 12 : i32
    %eq3A_368 = vector.broadcast %eq3A_367 : i32 to vector<512x2048xi32>
    %eq3A_369 = arith.cmpi eq, %select_n3A_215, %eq3A_368 : vector<512x2048xi32>
    %jit3A_370 = arith.constant -1 : i32
    %broadcast_in_dim3A_371 = vector.broadcast %jit3A_370 : i32 to vector<512x2048xi32>
    %select_n3A_372 = arith.select %eq3A_369, %iota3A_218, %broadcast_in_dim3A_371 : vector<512x2048xi1>, vector<512x2048xi32>
    %reduce_max3A_373 = arith.constant dense<-2147483648> : vector<512xi32>
    %reduce_max3A_374 = vector.multi_reduction <maxsi>, %select_n3A_372, %reduce_max3A_373 [1] : vector<512x2048xi32> to vector<512xi32>
    %broadcast_in_dim3A_375 = vector.shape_cast %reduce_max3A_374 : vector<512xi32> to vector<512x1xi32>
    %lt3A_376 = arith.constant 0 : i32
    %lt3A_377 = vector.broadcast %lt3A_376 : i32 to vector<512x1xi32>
    %lt3A_378 = arith.cmpi slt, %broadcast_in_dim3A_375, %lt3A_377 : vector<512x1xi32>
    %select_n3A_379 = arith.select %lt3A_378, %broadcast_in_dim3A_225, %broadcast_in_dim3A_375 : vector<512x1xi1>, vector<512x1xi32>
    %eq3A_380 = arith.constant 13 : i32
    %eq3A_381 = vector.broadcast %eq3A_380 : i32 to vector<512x2048xi32>
    %eq3A_382 = arith.cmpi eq, %select_n3A_215, %eq3A_381 : vector<512x2048xi32>
    %jit3A_383 = arith.constant -1 : i32
    %broadcast_in_dim3A_384 = vector.broadcast %jit3A_383 : i32 to vector<512x2048xi32>
    %select_n3A_385 = arith.select %eq3A_382, %iota3A_218, %broadcast_in_dim3A_384 : vector<512x2048xi1>, vector<512x2048xi32>
    %reduce_max3A_386 = arith.constant dense<-2147483648> : vector<512xi32>
    %reduce_max3A_387 = vector.multi_reduction <maxsi>, %select_n3A_385, %reduce_max3A_386 [1] : vector<512x2048xi32> to vector<512xi32>
    %broadcast_in_dim3A_388 = vector.shape_cast %reduce_max3A_387 : vector<512xi32> to vector<512x1xi32>
    %lt3A_389 = arith.constant 0 : i32
    %lt3A_390 = vector.broadcast %lt3A_389 : i32 to vector<512x1xi32>
    %lt3A_391 = arith.cmpi slt, %broadcast_in_dim3A_388, %lt3A_390 : vector<512x1xi32>
    %select_n3A_392 = arith.select %lt3A_391, %broadcast_in_dim3A_225, %broadcast_in_dim3A_388 : vector<512x1xi1>, vector<512x1xi32>
    %eq3A_393 = arith.constant 14 : i32
    %eq3A_394 = vector.broadcast %eq3A_393 : i32 to vector<512x2048xi32>
    %eq3A_395 = arith.cmpi eq, %select_n3A_215, %eq3A_394 : vector<512x2048xi32>
    %jit3A_396 = arith.constant -1 : i32
    %broadcast_in_dim3A_397 = vector.broadcast %jit3A_396 : i32 to vector<512x2048xi32>
    %select_n3A_398 = arith.select %eq3A_395, %iota3A_218, %broadcast_in_dim3A_397 : vector<512x2048xi1>, vector<512x2048xi32>
    %reduce_max3A_399 = arith.constant dense<-2147483648> : vector<512xi32>
    %reduce_max3A_400 = vector.multi_reduction <maxsi>, %select_n3A_398, %reduce_max3A_399 [1] : vector<512x2048xi32> to vector<512xi32>
    %broadcast_in_dim3A_401 = vector.shape_cast %reduce_max3A_400 : vector<512xi32> to vector<512x1xi32>
    %lt3A_402 = arith.constant 0 : i32
    %lt3A_403 = vector.broadcast %lt3A_402 : i32 to vector<512x1xi32>
    %lt3A_404 = arith.cmpi slt, %broadcast_in_dim3A_401, %lt3A_403 : vector<512x1xi32>
    %select_n3A_405 = arith.select %lt3A_404, %broadcast_in_dim3A_225, %broadcast_in_dim3A_401 : vector<512x1xi1>, vector<512x1xi32>
    %eq3A_406 = arith.constant 15 : i32
    %eq3A_407 = vector.broadcast %eq3A_406 : i32 to vector<512x2048xi32>
    %eq3A_408 = arith.cmpi eq, %select_n3A_215, %eq3A_407 : vector<512x2048xi32>
    %jit3A_409 = arith.constant -1 : i32
    %broadcast_in_dim3A_410 = vector.broadcast %jit3A_409 : i32 to vector<512x2048xi32>
    %select_n3A_411 = arith.select %eq3A_408, %iota3A_218, %broadcast_in_dim3A_410 : vector<512x2048xi1>, vector<512x2048xi32>
    %reduce_max3A_412 = arith.constant dense<-2147483648> : vector<512xi32>
    %reduce_max3A_413 = vector.multi_reduction <maxsi>, %select_n3A_411, %reduce_max3A_412 [1] : vector<512x2048xi32> to vector<512xi32>
    %broadcast_in_dim3A_414 = vector.shape_cast %reduce_max3A_413 : vector<512xi32> to vector<512x1xi32>
    %lt3A_415 = arith.constant 0 : i32
    %lt3A_416 = vector.broadcast %lt3A_415 : i32 to vector<512x1xi32>
    %lt3A_417 = arith.cmpi slt, %broadcast_in_dim3A_414, %lt3A_416 : vector<512x1xi32>
    %select_n3A_418 = arith.select %lt3A_417, %broadcast_in_dim3A_225, %broadcast_in_dim3A_414 : vector<512x1xi1>, vector<512x1xi32>
    %eq3A_419 = arith.constant 16 : i32
    %eq3A_420 = vector.broadcast %eq3A_419 : i32 to vector<512x2048xi32>
    %eq3A_421 = arith.cmpi eq, %select_n3A_215, %eq3A_420 : vector<512x2048xi32>
    %jit3A_422 = arith.constant -1 : i32
    %broadcast_in_dim3A_423 = vector.broadcast %jit3A_422 : i32 to vector<512x2048xi32>
    %select_n3A_424 = arith.select %eq3A_421, %iota3A_218, %broadcast_in_dim3A_423 : vector<512x2048xi1>, vector<512x2048xi32>
    %reduce_max3A_425 = arith.constant dense<-2147483648> : vector<512xi32>
    %reduce_max3A_426 = vector.multi_reduction <maxsi>, %select_n3A_424, %reduce_max3A_425 [1] : vector<512x2048xi32> to vector<512xi32>
    %broadcast_in_dim3A_427 = vector.shape_cast %reduce_max3A_426 : vector<512xi32> to vector<512x1xi32>
    %lt3A_428 = arith.constant 0 : i32
    %lt3A_429 = vector.broadcast %lt3A_428 : i32 to vector<512x1xi32>
    %lt3A_430 = arith.cmpi slt, %broadcast_in_dim3A_427, %lt3A_429 : vector<512x1xi32>
    %select_n3A_431 = arith.select %lt3A_430, %broadcast_in_dim3A_225, %broadcast_in_dim3A_427 : vector<512x1xi1>, vector<512x1xi32>
    %eq3A_432 = arith.constant 17 : i32
    %eq3A_433 = vector.broadcast %eq3A_432 : i32 to vector<512x2048xi32>
    %eq3A_434 = arith.cmpi eq, %select_n3A_215, %eq3A_433 : vector<512x2048xi32>
    %jit3A_435 = arith.constant -1 : i32
    %broadcast_in_dim3A_436 = vector.broadcast %jit3A_435 : i32 to vector<512x2048xi32>
    %select_n3A_437 = arith.select %eq3A_434, %iota3A_218, %broadcast_in_dim3A_436 : vector<512x2048xi1>, vector<512x2048xi32>
    %reduce_max3A_438 = arith.constant dense<-2147483648> : vector<512xi32>
    %reduce_max3A_439 = vector.multi_reduction <maxsi>, %select_n3A_437, %reduce_max3A_438 [1] : vector<512x2048xi32> to vector<512xi32>
    %broadcast_in_dim3A_440 = vector.shape_cast %reduce_max3A_439 : vector<512xi32> to vector<512x1xi32>
    %lt3A_441 = arith.constant 0 : i32
    %lt3A_442 = vector.broadcast %lt3A_441 : i32 to vector<512x1xi32>
    %lt3A_443 = arith.cmpi slt, %broadcast_in_dim3A_440, %lt3A_442 : vector<512x1xi32>
    %select_n3A_444 = arith.select %lt3A_443, %broadcast_in_dim3A_225, %broadcast_in_dim3A_440 : vector<512x1xi1>, vector<512x1xi32>
    %eq3A_445 = arith.constant 18 : i32
    %eq3A_446 = vector.broadcast %eq3A_445 : i32 to vector<512x2048xi32>
    %eq3A_447 = arith.cmpi eq, %select_n3A_215, %eq3A_446 : vector<512x2048xi32>
    %jit3A_448 = arith.constant -1 : i32
    %broadcast_in_dim3A_449 = vector.broadcast %jit3A_448 : i32 to vector<512x2048xi32>
    %select_n3A_450 = arith.select %eq3A_447, %iota3A_218, %broadcast_in_dim3A_449 : vector<512x2048xi1>, vector<512x2048xi32>
    %reduce_max3A_451 = arith.constant dense<-2147483648> : vector<512xi32>
    %reduce_max3A_452 = vector.multi_reduction <maxsi>, %select_n3A_450, %reduce_max3A_451 [1] : vector<512x2048xi32> to vector<512xi32>
    %broadcast_in_dim3A_453 = vector.shape_cast %reduce_max3A_452 : vector<512xi32> to vector<512x1xi32>
    %lt3A_454 = arith.constant 0 : i32
    %lt3A_455 = vector.broadcast %lt3A_454 : i32 to vector<512x1xi32>
    %lt3A_456 = arith.cmpi slt, %broadcast_in_dim3A_453, %lt3A_455 : vector<512x1xi32>
    %select_n3A_457 = arith.select %lt3A_456, %broadcast_in_dim3A_225, %broadcast_in_dim3A_453 : vector<512x1xi1>, vector<512x1xi32>
    %eq3A_458 = arith.constant 19 : i32
    %eq3A_459 = vector.broadcast %eq3A_458 : i32 to vector<512x2048xi32>
    %eq3A_460 = arith.cmpi eq, %select_n3A_215, %eq3A_459 : vector<512x2048xi32>
    %jit3A_461 = arith.constant -1 : i32
    %broadcast_in_dim3A_462 = vector.broadcast %jit3A_461 : i32 to vector<512x2048xi32>
    %select_n3A_463 = arith.select %eq3A_460, %iota3A_218, %broadcast_in_dim3A_462 : vector<512x2048xi1>, vector<512x2048xi32>
    %reduce_max3A_464 = arith.constant dense<-2147483648> : vector<512xi32>
    %reduce_max3A_465 = vector.multi_reduction <maxsi>, %select_n3A_463, %reduce_max3A_464 [1] : vector<512x2048xi32> to vector<512xi32>
    %broadcast_in_dim3A_466 = vector.shape_cast %reduce_max3A_465 : vector<512xi32> to vector<512x1xi32>
    %lt3A_467 = arith.constant 0 : i32
    %lt3A_468 = vector.broadcast %lt3A_467 : i32 to vector<512x1xi32>
    %lt3A_469 = arith.cmpi slt, %broadcast_in_dim3A_466, %lt3A_468 : vector<512x1xi32>
    %select_n3A_470 = arith.select %lt3A_469, %broadcast_in_dim3A_225, %broadcast_in_dim3A_466 : vector<512x1xi1>, vector<512x1xi32>
    %eq3A_471 = arith.constant 20 : i32
    %eq3A_472 = vector.broadcast %eq3A_471 : i32 to vector<512x2048xi32>
    %eq3A_473 = arith.cmpi eq, %select_n3A_215, %eq3A_472 : vector<512x2048xi32>
    %jit3A_474 = arith.constant -1 : i32
    %broadcast_in_dim3A_475 = vector.broadcast %jit3A_474 : i32 to vector<512x2048xi32>
    %select_n3A_476 = arith.select %eq3A_473, %iota3A_218, %broadcast_in_dim3A_475 : vector<512x2048xi1>, vector<512x2048xi32>
    %reduce_max3A_477 = arith.constant dense<-2147483648> : vector<512xi32>
    %reduce_max3A_478 = vector.multi_reduction <maxsi>, %select_n3A_476, %reduce_max3A_477 [1] : vector<512x2048xi32> to vector<512xi32>
    %broadcast_in_dim3A_479 = vector.shape_cast %reduce_max3A_478 : vector<512xi32> to vector<512x1xi32>
    %lt3A_480 = arith.constant 0 : i32
    %lt3A_481 = vector.broadcast %lt3A_480 : i32 to vector<512x1xi32>
    %lt3A_482 = arith.cmpi slt, %broadcast_in_dim3A_479, %lt3A_481 : vector<512x1xi32>
    %select_n3A_483 = arith.select %lt3A_482, %broadcast_in_dim3A_225, %broadcast_in_dim3A_479 : vector<512x1xi1>, vector<512x1xi32>
    %eq3A_484 = arith.constant 21 : i32
    %eq3A_485 = vector.broadcast %eq3A_484 : i32 to vector<512x2048xi32>
    %eq3A_486 = arith.cmpi eq, %select_n3A_215, %eq3A_485 : vector<512x2048xi32>
    %jit3A_487 = arith.constant -1 : i32
    %broadcast_in_dim3A_488 = vector.broadcast %jit3A_487 : i32 to vector<512x2048xi32>
    %select_n3A_489 = arith.select %eq3A_486, %iota3A_218, %broadcast_in_dim3A_488 : vector<512x2048xi1>, vector<512x2048xi32>
    %reduce_max3A_490 = arith.constant dense<-2147483648> : vector<512xi32>
    %reduce_max3A_491 = vector.multi_reduction <maxsi>, %select_n3A_489, %reduce_max3A_490 [1] : vector<512x2048xi32> to vector<512xi32>
    %broadcast_in_dim3A_492 = vector.shape_cast %reduce_max3A_491 : vector<512xi32> to vector<512x1xi32>
    %lt3A_493 = arith.constant 0 : i32
    %lt3A_494 = vector.broadcast %lt3A_493 : i32 to vector<512x1xi32>
    %lt3A_495 = arith.cmpi slt, %broadcast_in_dim3A_492, %lt3A_494 : vector<512x1xi32>
    %select_n3A_496 = arith.select %lt3A_495, %broadcast_in_dim3A_225, %broadcast_in_dim3A_492 : vector<512x1xi1>, vector<512x1xi32>
    %eq3A_497 = arith.constant 22 : i32
    %eq3A_498 = vector.broadcast %eq3A_497 : i32 to vector<512x2048xi32>
    %eq3A_499 = arith.cmpi eq, %select_n3A_215, %eq3A_498 : vector<512x2048xi32>
    %jit3A_500 = arith.constant -1 : i32
    %broadcast_in_dim3A_501 = vector.broadcast %jit3A_500 : i32 to vector<512x2048xi32>
    %select_n3A_502 = arith.select %eq3A_499, %iota3A_218, %broadcast_in_dim3A_501 : vector<512x2048xi1>, vector<512x2048xi32>
    %reduce_max3A_503 = arith.constant dense<-2147483648> : vector<512xi32>
    %reduce_max3A_504 = vector.multi_reduction <maxsi>, %select_n3A_502, %reduce_max3A_503 [1] : vector<512x2048xi32> to vector<512xi32>
    %broadcast_in_dim3A_505 = vector.shape_cast %reduce_max3A_504 : vector<512xi32> to vector<512x1xi32>
    %lt3A_506 = arith.constant 0 : i32
    %lt3A_507 = vector.broadcast %lt3A_506 : i32 to vector<512x1xi32>
    %lt3A_508 = arith.cmpi slt, %broadcast_in_dim3A_505, %lt3A_507 : vector<512x1xi32>
    %select_n3A_509 = arith.select %lt3A_508, %broadcast_in_dim3A_225, %broadcast_in_dim3A_505 : vector<512x1xi1>, vector<512x1xi32>
    %eq3A_510 = arith.constant 23 : i32
    %eq3A_511 = vector.broadcast %eq3A_510 : i32 to vector<512x2048xi32>
    %eq3A_512 = arith.cmpi eq, %select_n3A_215, %eq3A_511 : vector<512x2048xi32>
    %jit3A_513 = arith.constant -1 : i32
    %broadcast_in_dim3A_514 = vector.broadcast %jit3A_513 : i32 to vector<512x2048xi32>
    %select_n3A_515 = arith.select %eq3A_512, %iota3A_218, %broadcast_in_dim3A_514 : vector<512x2048xi1>, vector<512x2048xi32>
    %reduce_max3A_516 = arith.constant dense<-2147483648> : vector<512xi32>
    %reduce_max3A_517 = vector.multi_reduction <maxsi>, %select_n3A_515, %reduce_max3A_516 [1] : vector<512x2048xi32> to vector<512xi32>
    %broadcast_in_dim3A_518 = vector.shape_cast %reduce_max3A_517 : vector<512xi32> to vector<512x1xi32>
    %lt3A_519 = arith.constant 0 : i32
    %lt3A_520 = vector.broadcast %lt3A_519 : i32 to vector<512x1xi32>
    %lt3A_521 = arith.cmpi slt, %broadcast_in_dim3A_518, %lt3A_520 : vector<512x1xi32>
    %select_n3A_522 = arith.select %lt3A_521, %broadcast_in_dim3A_225, %broadcast_in_dim3A_518 : vector<512x1xi1>, vector<512x1xi32>
    %eq3A_523 = arith.constant 24 : i32
    %eq3A_524 = vector.broadcast %eq3A_523 : i32 to vector<512x2048xi32>
    %eq3A_525 = arith.cmpi eq, %select_n3A_215, %eq3A_524 : vector<512x2048xi32>
    %jit3A_526 = arith.constant -1 : i32
    %broadcast_in_dim3A_527 = vector.broadcast %jit3A_526 : i32 to vector<512x2048xi32>
    %select_n3A_528 = arith.select %eq3A_525, %iota3A_218, %broadcast_in_dim3A_527 : vector<512x2048xi1>, vector<512x2048xi32>
    %reduce_max3A_529 = arith.constant dense<-2147483648> : vector<512xi32>
    %reduce_max3A_530 = vector.multi_reduction <maxsi>, %select_n3A_528, %reduce_max3A_529 [1] : vector<512x2048xi32> to vector<512xi32>
    %broadcast_in_dim3A_531 = vector.shape_cast %reduce_max3A_530 : vector<512xi32> to vector<512x1xi32>
    %lt3A_532 = arith.constant 0 : i32
    %lt3A_533 = vector.broadcast %lt3A_532 : i32 to vector<512x1xi32>
    %lt3A_534 = arith.cmpi slt, %broadcast_in_dim3A_531, %lt3A_533 : vector<512x1xi32>
    %select_n3A_535 = arith.select %lt3A_534, %broadcast_in_dim3A_225, %broadcast_in_dim3A_531 : vector<512x1xi1>, vector<512x1xi32>
    %eq3A_536 = arith.constant 25 : i32
    %eq3A_537 = vector.broadcast %eq3A_536 : i32 to vector<512x2048xi32>
    %eq3A_538 = arith.cmpi eq, %select_n3A_215, %eq3A_537 : vector<512x2048xi32>
    %jit3A_539 = arith.constant -1 : i32
    %broadcast_in_dim3A_540 = vector.broadcast %jit3A_539 : i32 to vector<512x2048xi32>
    %select_n3A_541 = arith.select %eq3A_538, %iota3A_218, %broadcast_in_dim3A_540 : vector<512x2048xi1>, vector<512x2048xi32>
    %reduce_max3A_542 = arith.constant dense<-2147483648> : vector<512xi32>
    %reduce_max3A_543 = vector.multi_reduction <maxsi>, %select_n3A_541, %reduce_max3A_542 [1] : vector<512x2048xi32> to vector<512xi32>
    %broadcast_in_dim3A_544 = vector.shape_cast %reduce_max3A_543 : vector<512xi32> to vector<512x1xi32>
    %lt3A_545 = arith.constant 0 : i32
    %lt3A_546 = vector.broadcast %lt3A_545 : i32 to vector<512x1xi32>
    %lt3A_547 = arith.cmpi slt, %broadcast_in_dim3A_544, %lt3A_546 : vector<512x1xi32>
    %select_n3A_548 = arith.select %lt3A_547, %broadcast_in_dim3A_225, %broadcast_in_dim3A_544 : vector<512x1xi1>, vector<512x1xi32>
    %eq3A_549 = arith.constant 26 : i32
    %eq3A_550 = vector.broadcast %eq3A_549 : i32 to vector<512x2048xi32>
    %eq3A_551 = arith.cmpi eq, %select_n3A_215, %eq3A_550 : vector<512x2048xi32>
    %jit3A_552 = arith.constant -1 : i32
    %broadcast_in_dim3A_553 = vector.broadcast %jit3A_552 : i32 to vector<512x2048xi32>
    %select_n3A_554 = arith.select %eq3A_551, %iota3A_218, %broadcast_in_dim3A_553 : vector<512x2048xi1>, vector<512x2048xi32>
    %reduce_max3A_555 = arith.constant dense<-2147483648> : vector<512xi32>
    %reduce_max3A_556 = vector.multi_reduction <maxsi>, %select_n3A_554, %reduce_max3A_555 [1] : vector<512x2048xi32> to vector<512xi32>
    %broadcast_in_dim3A_557 = vector.shape_cast %reduce_max3A_556 : vector<512xi32> to vector<512x1xi32>
    %lt3A_558 = arith.constant 0 : i32
    %lt3A_559 = vector.broadcast %lt3A_558 : i32 to vector<512x1xi32>
    %lt3A_560 = arith.cmpi slt, %broadcast_in_dim3A_557, %lt3A_559 : vector<512x1xi32>
    %select_n3A_561 = arith.select %lt3A_560, %broadcast_in_dim3A_225, %broadcast_in_dim3A_557 : vector<512x1xi1>, vector<512x1xi32>
    %eq3A_562 = arith.constant 27 : i32
    %eq3A_563 = vector.broadcast %eq3A_562 : i32 to vector<512x2048xi32>
    %eq3A_564 = arith.cmpi eq, %select_n3A_215, %eq3A_563 : vector<512x2048xi32>
    %jit3A_565 = arith.constant -1 : i32
    %broadcast_in_dim3A_566 = vector.broadcast %jit3A_565 : i32 to vector<512x2048xi32>
    %select_n3A_567 = arith.select %eq3A_564, %iota3A_218, %broadcast_in_dim3A_566 : vector<512x2048xi1>, vector<512x2048xi32>
    %reduce_max3A_568 = arith.constant dense<-2147483648> : vector<512xi32>
    %reduce_max3A_569 = vector.multi_reduction <maxsi>, %select_n3A_567, %reduce_max3A_568 [1] : vector<512x2048xi32> to vector<512xi32>
    %broadcast_in_dim3A_570 = vector.shape_cast %reduce_max3A_569 : vector<512xi32> to vector<512x1xi32>
    %lt3A_571 = arith.constant 0 : i32
    %lt3A_572 = vector.broadcast %lt3A_571 : i32 to vector<512x1xi32>
    %lt3A_573 = arith.cmpi slt, %broadcast_in_dim3A_570, %lt3A_572 : vector<512x1xi32>
    %select_n3A_574 = arith.select %lt3A_573, %broadcast_in_dim3A_225, %broadcast_in_dim3A_570 : vector<512x1xi1>, vector<512x1xi32>
    %eq3A_575 = arith.constant 28 : i32
    %eq3A_576 = vector.broadcast %eq3A_575 : i32 to vector<512x2048xi32>
    %eq3A_577 = arith.cmpi eq, %select_n3A_215, %eq3A_576 : vector<512x2048xi32>
    %jit3A_578 = arith.constant -1 : i32
    %broadcast_in_dim3A_579 = vector.broadcast %jit3A_578 : i32 to vector<512x2048xi32>
    %select_n3A_580 = arith.select %eq3A_577, %iota3A_218, %broadcast_in_dim3A_579 : vector<512x2048xi1>, vector<512x2048xi32>
    %reduce_max3A_581 = arith.constant dense<-2147483648> : vector<512xi32>
    %reduce_max3A_582 = vector.multi_reduction <maxsi>, %select_n3A_580, %reduce_max3A_581 [1] : vector<512x2048xi32> to vector<512xi32>
    %broadcast_in_dim3A_583 = vector.shape_cast %reduce_max3A_582 : vector<512xi32> to vector<512x1xi32>
    %lt3A_584 = arith.constant 0 : i32
    %lt3A_585 = vector.broadcast %lt3A_584 : i32 to vector<512x1xi32>
    %lt3A_586 = arith.cmpi slt, %broadcast_in_dim3A_583, %lt3A_585 : vector<512x1xi32>
    %select_n3A_587 = arith.select %lt3A_586, %broadcast_in_dim3A_225, %broadcast_in_dim3A_583 : vector<512x1xi1>, vector<512x1xi32>
    %eq3A_588 = arith.constant 29 : i32
    %eq3A_589 = vector.broadcast %eq3A_588 : i32 to vector<512x2048xi32>
    %eq3A_590 = arith.cmpi eq, %select_n3A_215, %eq3A_589 : vector<512x2048xi32>
    %jit3A_591 = arith.constant -1 : i32
    %broadcast_in_dim3A_592 = vector.broadcast %jit3A_591 : i32 to vector<512x2048xi32>
    %select_n3A_593 = arith.select %eq3A_590, %iota3A_218, %broadcast_in_dim3A_592 : vector<512x2048xi1>, vector<512x2048xi32>
    %reduce_max3A_594 = arith.constant dense<-2147483648> : vector<512xi32>
    %reduce_max3A_595 = vector.multi_reduction <maxsi>, %select_n3A_593, %reduce_max3A_594 [1] : vector<512x2048xi32> to vector<512xi32>
    %broadcast_in_dim3A_596 = vector.shape_cast %reduce_max3A_595 : vector<512xi32> to vector<512x1xi32>
    %lt3A_597 = arith.constant 0 : i32
    %lt3A_598 = vector.broadcast %lt3A_597 : i32 to vector<512x1xi32>
    %lt3A_599 = arith.cmpi slt, %broadcast_in_dim3A_596, %lt3A_598 : vector<512x1xi32>
    %select_n3A_600 = arith.select %lt3A_599, %broadcast_in_dim3A_225, %broadcast_in_dim3A_596 : vector<512x1xi1>, vector<512x1xi32>
    %eq3A_601 = arith.constant 30 : i32
    %eq3A_602 = vector.broadcast %eq3A_601 : i32 to vector<512x2048xi32>
    %eq3A_603 = arith.cmpi eq, %select_n3A_215, %eq3A_602 : vector<512x2048xi32>
    %jit3A_604 = arith.constant -1 : i32
    %broadcast_in_dim3A_605 = vector.broadcast %jit3A_604 : i32 to vector<512x2048xi32>
    %select_n3A_606 = arith.select %eq3A_603, %iota3A_218, %broadcast_in_dim3A_605 : vector<512x2048xi1>, vector<512x2048xi32>
    %reduce_max3A_607 = arith.constant dense<-2147483648> : vector<512xi32>
    %reduce_max3A_608 = vector.multi_reduction <maxsi>, %select_n3A_606, %reduce_max3A_607 [1] : vector<512x2048xi32> to vector<512xi32>
    %broadcast_in_dim3A_609 = vector.shape_cast %reduce_max3A_608 : vector<512xi32> to vector<512x1xi32>
    %lt3A_610 = arith.constant 0 : i32
    %lt3A_611 = vector.broadcast %lt3A_610 : i32 to vector<512x1xi32>
    %lt3A_612 = arith.cmpi slt, %broadcast_in_dim3A_609, %lt3A_611 : vector<512x1xi32>
    %select_n3A_613 = arith.select %lt3A_612, %broadcast_in_dim3A_225, %broadcast_in_dim3A_609 : vector<512x1xi1>, vector<512x1xi32>
    %eq3A_614 = arith.constant 31 : i32
    %eq3A_615 = vector.broadcast %eq3A_614 : i32 to vector<512x2048xi32>
    %eq3A_616 = arith.cmpi eq, %select_n3A_215, %eq3A_615 : vector<512x2048xi32>
    %jit3A_617 = arith.constant -1 : i32
    %broadcast_in_dim3A_618 = vector.broadcast %jit3A_617 : i32 to vector<512x2048xi32>
    %select_n3A_619 = arith.select %eq3A_616, %iota3A_218, %broadcast_in_dim3A_618 : vector<512x2048xi1>, vector<512x2048xi32>
    %reduce_max3A_620 = arith.constant dense<-2147483648> : vector<512xi32>
    %reduce_max3A_621 = vector.multi_reduction <maxsi>, %select_n3A_619, %reduce_max3A_620 [1] : vector<512x2048xi32> to vector<512xi32>
    %broadcast_in_dim3A_622 = vector.shape_cast %reduce_max3A_621 : vector<512xi32> to vector<512x1xi32>
    %lt3A_623 = arith.constant 0 : i32
    %lt3A_624 = vector.broadcast %lt3A_623 : i32 to vector<512x1xi32>
    %lt3A_625 = arith.cmpi slt, %broadcast_in_dim3A_622, %lt3A_624 : vector<512x1xi32>
    %select_n3A_626 = arith.select %lt3A_625, %broadcast_in_dim3A_225, %broadcast_in_dim3A_622 : vector<512x1xi1>, vector<512x1xi32>
    %eq3A_627 = arith.constant 32 : i32
    %eq3A_628 = vector.broadcast %eq3A_627 : i32 to vector<512x2048xi32>
    %eq3A_629 = arith.cmpi eq, %select_n3A_215, %eq3A_628 : vector<512x2048xi32>
    %jit3A_630 = arith.constant -1 : i32
    %broadcast_in_dim3A_631 = vector.broadcast %jit3A_630 : i32 to vector<512x2048xi32>
    %select_n3A_632 = arith.select %eq3A_629, %iota3A_218, %broadcast_in_dim3A_631 : vector<512x2048xi1>, vector<512x2048xi32>
    %reduce_max3A_633 = arith.constant dense<-2147483648> : vector<512xi32>
    %reduce_max3A_634 = vector.multi_reduction <maxsi>, %select_n3A_632, %reduce_max3A_633 [1] : vector<512x2048xi32> to vector<512xi32>
    %broadcast_in_dim3A_635 = vector.shape_cast %reduce_max3A_634 : vector<512xi32> to vector<512x1xi32>
    %lt3A_636 = arith.constant 0 : i32
    %lt3A_637 = vector.broadcast %lt3A_636 : i32 to vector<512x1xi32>
    %lt3A_638 = arith.cmpi slt, %broadcast_in_dim3A_635, %lt3A_637 : vector<512x1xi32>
    %select_n3A_639 = arith.select %lt3A_638, %broadcast_in_dim3A_225, %broadcast_in_dim3A_635 : vector<512x1xi1>, vector<512x1xi32>
    %broadcast_in_dim3A_640 = arith.constant 0 : i32
    %broadcast_in_dim3A_641 = vector.broadcast %broadcast_in_dim3A_640 : i32 to vector<512x96xi32>
    %concatenate3A_642 = tpu.concatenate %select_n3A_236, %select_n3A_249, %select_n3A_262, %select_n3A_275, %select_n3A_288, %select_n3A_301, %select_n3A_314, %select_n3A_327, %select_n3A_340, %select_n3A_353, %select_n3A_366, %select_n3A_379, %select_n3A_392, %select_n3A_405, %select_n3A_418, %select_n3A_431, %select_n3A_444, %select_n3A_457, %select_n3A_470, %select_n3A_483, %select_n3A_496, %select_n3A_509, %select_n3A_522, %select_n3A_535, %select_n3A_548, %select_n3A_561, %select_n3A_574, %select_n3A_587, %select_n3A_600, %select_n3A_613, %select_n3A_626, %select_n3A_639, %broadcast_in_dim3A_641 in 1 : vector<512x1xi32>, vector<512x1xi32>, vector<512x1xi32>, vector<512x1xi32>, vector<512x1xi32>, vector<512x1xi32>, vector<512x1xi32>, vector<512x1xi32>, vector<512x1xi32>, vector<512x1xi32>, vector<512x1xi32>, vector<512x1xi32>, vector<512x1xi32>, vector<512x1xi32>, vector<512x1xi32>, vector<512x1xi32>, vector<512x1xi32>, vector<512x1xi32>, vector<512x1xi32>, vector<512x1xi32>, vector<512x1xi32>, vector<512x1xi32>, vector<512x1xi32>, vector<512x1xi32>, vector<512x1xi32>, vector<512x1xi32>, vector<512x1xi32>, vector<512x1xi32>, vector<512x1xi32>, vector<512x1xi32>, vector<512x1xi32>, vector<512x1xi32>, vector<512x96xi32> -> vector<512x128xi32>
    %swap3A = arith.constant 0 : index
    %swap3A_643 = arith.constant 0 : index
    %swap3A_644 = vector.load %arg5[%swap3A, %swap3A_643] : memref<512x128xi32, #tpu.memory_space<vmem>>, vector<512x128xi32>
    tpu.vector_store %arg5[%swap3A, %swap3A_643], %concatenate3A_642 {strides = array<i32>} : memref<512x128xi32, #tpu.memory_space<vmem>>, vector<512x128xi32>,
    return
  }
  func.func @transform_0(%arg0: i32) -> (i32, i32) {
    %c0_i32 = arith.constant 0 : i32
    %c0_i32_0 = arith.constant 0 : i32
    return %c0_i32, %arg0 : i32, i32
  }
  func.func @transform_1(%arg0: i32) -> (i32, i32) {
    %c0_i32 = arith.constant 0 : i32
    %c0_i32_0 = arith.constant 0 : i32
    return %c0_i32, %arg0 : i32, i32
  }
  func.func @transform_2(%arg0: i32) -> (i32, i32) {
    %c0_i32 = arith.constant 0 : i32
    %c0_i32_0 = arith.constant 0 : i32
    return %arg0, %c0_i32 : i32, i32
  }
  func.func @transform_3(%arg0: i32) -> (i32, i32) {
    %c0_i32 = arith.constant 0 : i32
    %c0_i32_0 = arith.constant 0 : i32
    return %c0_i32, %arg0 : i32, i32
  }
  func.func @transform_4(%arg0: i32) -> (i32, i32) {
    %c0_i32 = arith.constant 0 : i32
    %c0_i32_0 = arith.constant 0 : i32
    return %arg0, %c0_i32 : i32, i32
  }
}

module attributes {stable_mosaic.version = 14 : i64} {
  func.func @_k1_body(%arg0: i32, %arg1: memref<512x256xf32, #tpu.memory_space<vmem>>, %arg2: memref<8x128xf32, #tpu.memory_space<vmem>>, %arg3: memref<256x128xf32, #tpu.memory_space<vmem>>, %arg4: memref<8x128xf32, #tpu.memory_space<vmem>>, %arg5: memref<512x128xbf16, #tpu.memory_space<vmem>>, %arg6: memref<8x128xf32, #tpu.memory_space<vmem>>) attributes {dimension_semantics = [#tpu.dimension_semantics<arbitrary>], iteration_bounds = array<i64: 256>, scalar_prefetch = 0 : i64, scratch_operands = 0 : i64, tpu.core_type = #tpu.core_type<tc>, window_params = [{transform_indices = @transform_0, window_bounds = array<i64: 512, 256>}, {transform_indices = @transform_1, window_bounds = array<i64: 8, 128>}, {pipeline_mode = #tpu.pipeline_mode<synchronous>, transform_indices = @transform_2, window_bounds = array<i64: 256, 128>}, {pipeline_mode = #tpu.pipeline_mode<synchronous>, transform_indices = @transform_3, window_bounds = array<i64: 8, 128>}, {transform_indices = @transform_4, window_bounds = array<i64: 512, 128>}, {pipeline_mode = #tpu.pipeline_mode<synchronous>, transform_indices = @transform_5, window_bounds = array<i64: 8, 128>}]} {
    %get3A = arith.constant 0 : index
    %get3A_0 = arith.constant 0 : index
    %get3A_1 = vector.load %arg1[%get3A, %get3A_0] : memref<512x256xf32, #tpu.memory_space<vmem>>, vector<512x256xf32>
    %get3A_2 = arith.constant 0 : index
    %get3A_3 = arith.constant 0 : index
    %get3A_4 = vector.load %arg3[%get3A_2, %get3A_3] : memref<256x128xf32, #tpu.memory_space<vmem>>, vector<256x128xf32>
    %dot_general3A = arith.constant dense<0.000000e+00> : vector<512x128xf32>
    %dot_general3A_5 = tpu.matmul %get3A_1, %get3A_4, %dot_general3A {dimension_numbers = #tpu.dot_dimension_numbers<[1], [0], [0], [1], [0, 0, 1, 1], [], []>, transpose_lhs_hint = false} : vector<512x256xf32>, vector<256x128xf32>, vector<512x128xf32> -> vector<512x128xf32>
    %get3A_6 = arith.constant 0 : index
    %get3A_7 = arith.constant 0 : index
    %get3A_8 = vector.load %arg2[%get3A_6, %get3A_7] : memref<8x128xf32, #tpu.memory_space<vmem>>, vector<8x128xf32>
    %get3A_9 = arith.constant 0 : index
    %get3A_10 = arith.constant 0 : index
    %get3A_11 = vector.load %arg4[%get3A_9, %get3A_10] : memref<8x128xf32, #tpu.memory_space<vmem>>, vector<8x128xf32>
    %dot_general3A_12 = arith.constant dense<0.000000e+00> : vector<128x128xf32>
    %dot_general3A_13 = tpu.matmul %get3A_8, %get3A_11, %dot_general3A_12 {dimension_numbers = #tpu.dot_dimension_numbers<[0], [0], [1], [1], [0, 1, 1, 1], [], []>, transpose_lhs_hint = false} : vector<8x128xf32>, vector<8x128xf32>, vector<128x128xf32> -> vector<128x128xf32>
    %iota3A = tpu.iota {dimensions = array<i32: 0>} : vector<512x128xi32>
    %jit3A = arith.constant 32 : i32
    %div3A = vector.broadcast %jit3A : i32 to vector<512x128xi32>
    %div3A_14 = arith.divsi %iota3A, %div3A : vector<512x128xi32>
    %sign3A = arith.constant 0 : i32
    %sign3A_15 = vector.broadcast %sign3A : i32 to vector<512x128xi32>
    %sign3A_16 = arith.cmpi sgt, %iota3A, %sign3A_15 : vector<512x128xi32>
    %sign3A_17 = arith.extui %sign3A_16 : vector<512x128xi1> to vector<512x128xi32>
    %sign3A_18 = arith.constant 0 : i32
    %sign3A_19 = vector.broadcast %sign3A_18 : i32 to vector<512x128xi32>
    %sign3A_20 = arith.cmpi slt, %iota3A, %sign3A_19 : vector<512x128xi32>
    %sign3A_21 = arith.extui %sign3A_20 : vector<512x128xi1> to vector<512x128xi32>
    %sign3A_22 = arith.subi %sign3A_17, %sign3A_21 : vector<512x128xi32>
    %sign3A_23 = arith.constant 0 : i32
    %sign3A_24 = arith.cmpi sgt, %jit3A, %sign3A_23 : i32
    %sign3A_25 = arith.extui %sign3A_24 : i1 to i32
    %sign3A_26 = arith.constant 0 : i32
    %sign3A_27 = arith.cmpi slt, %jit3A, %sign3A_26 : i32
    %sign3A_28 = arith.extui %sign3A_27 : i1 to i32
    %sign3A_29 = arith.subi %sign3A_25, %sign3A_28 : i32
    %ne3A = vector.broadcast %sign3A_29 : i32 to vector<512x128xi32>
    %ne3A_30 = arith.cmpi ne, %sign3A_22, %ne3A : vector<512x128xi32>
    %rem3A = vector.broadcast %jit3A : i32 to vector<512x128xi32>
    %rem3A_31 = arith.remsi %iota3A, %rem3A : vector<512x128xi32>
    %ne3A_32 = arith.constant 0 : i32
    %ne3A_33 = vector.broadcast %ne3A_32 : i32 to vector<512x128xi32>
    %ne3A_34 = arith.cmpi ne, %rem3A_31, %ne3A_33 : vector<512x128xi32>
    %and3A = arith.andi %ne3A_30, %ne3A_34 : vector<512x128xi1>
    %sub3A = arith.constant 1 : i32
    %sub3A_35 = vector.broadcast %sub3A : i32 to vector<512x128xi32>
    %sub3A_36 = arith.subi %div3A_14, %sub3A_35 : vector<512x128xi32>
    %select_n3A = arith.select %and3A, %sub3A_36, %div3A_14 : vector<512x128xi1>, vector<512x128xi32>
    %jit3A_37 = arith.constant 8 : i32
    %eq3A = arith.constant 0 : i32
    %eq3A_38 = arith.cmpi eq, %jit3A_37, %eq3A : i32
    %jit3A_39 = arith.constant 1 : i32
    %select_n3A_40 = arith.select %eq3A_38, %jit3A_39, %jit3A_37 : i32
    %rem3A_41 = arith.remsi %arg0, %select_n3A_40 : i32
    %ne3A_42 = arith.constant 0 : i32
    %ne3A_43 = arith.cmpi ne, %rem3A_41, %ne3A_42 : i32
    %lt3A = arith.constant 0 : i32
    %lt3A_44 = arith.cmpi slt, %rem3A_41, %lt3A : i32
    %lt3A_45 = arith.constant 0 : i32
    %lt3A_46 = arith.cmpi slt, %select_n3A_40, %lt3A_45 : i32
    %ne3A_47 = arith.xori %lt3A_44, %lt3A_46 : i1
    %and3A_48 = arith.andi %ne3A_47, %ne3A_43 : i1
    %add3A = arith.addi %rem3A_41, %select_n3A_40 : i32
    %select_n3A_49 = arith.select %and3A_48, %add3A, %rem3A_41 : i32
    %mul3A = arith.constant 16 : i32
    %mul3A_50 = arith.muli %select_n3A_49, %mul3A : i32
    %add3A_51 = vector.broadcast %mul3A_50 : i32 to vector<512x128xi32>
    %add3A_52 = arith.addi %select_n3A, %add3A_51 : vector<512x128xi32>
    %iota3A_53 = tpu.iota {dimensions = array<i32: 1>} : vector<512x128xi32>
    %eq3A_54 = arith.cmpi eq, %add3A_52, %iota3A_53 : vector<512x128xi32>
    %convert_element_type3A = arith.extui %eq3A_54 : vector<512x128xi1> to vector<512x128xi32>
    %convert_element_type3A_55 = arith.sitofp %convert_element_type3A : vector<512x128xi32> to vector<512x128xf32>
    %dot_general3A_56 = arith.constant dense<0.000000e+00> : vector<512x128xf32>
    %dot_general3A_57 = tpu.matmul %convert_element_type3A_55, %dot_general3A_13, %dot_general3A_56 {dimension_numbers = #tpu.dot_dimension_numbers<[1], [0], [0], [1], [0, 0, 1, 1], [], []>, transpose_lhs_hint = false} : vector<512x128xf32>, vector<128x128xf32>, vector<512x128xf32> -> vector<512x128xf32>
    %sub3A_58 = arith.subf %dot_general3A_5, %dot_general3A_57 : vector<512x128xf32>
    %convert_element_type3A_59 = arith.truncf %sub3A_58 : vector<512x128xf32> to vector<512x128xbf16>
    %swap3A = arith.constant 0 : index
    %swap3A_60 = arith.constant 0 : index
    %swap3A_61 = vector.load %arg5[%swap3A, %swap3A_60] : memref<512x128xbf16, #tpu.memory_space<vmem>>, vector<512x128xbf16>
    tpu.vector_store %arg5[%swap3A, %swap3A_60], %convert_element_type3A_59 {strides = array<i32>} : memref<512x128xbf16, #tpu.memory_space<vmem>>, vector<512x128xbf16>,
    %reduce_sum3A = arith.constant dense<0.000000e+00> : vector<128xf32>
    %reduce_sum3A_62 = vector.multi_reduction <add>, %sub3A_58, %reduce_sum3A [0] : vector<512x128xf32> to vector<128xf32>
    %broadcast_in_dim3A = vector.shape_cast %reduce_sum3A_62 : vector<128xf32> to vector<1x128xf32>
    %mul3A_63 = arith.mulf %sub3A_58, %sub3A_58 : vector<512x128xf32>
    %reduce_sum3A_64 = arith.constant dense<0.000000e+00> : vector<128xf32>
    %reduce_sum3A_65 = vector.multi_reduction <add>, %mul3A_63, %reduce_sum3A_64 [0] : vector<512x128xf32> to vector<128xf32>
    %broadcast_in_dim3A_66 = vector.shape_cast %reduce_sum3A_65 : vector<128xf32> to vector<1x128xf32>
    %broadcast_in_dim3A_67 = arith.constant 0.000000e+00 : f32
    %broadcast_in_dim3A_68 = vector.broadcast %broadcast_in_dim3A_67 : f32 to vector<6x128xf32>
    %concatenate3A = tpu.concatenate %broadcast_in_dim3A, %broadcast_in_dim3A_66, %broadcast_in_dim3A_68 in 0 : vector<1x128xf32>, vector<1x128xf32>, vector<6x128xf32> -> vector<8x128xf32>
    %eq3A_69 = arith.constant 0 : i32
    %eq3A_70 = arith.cmpi eq, %arg0, %eq3A_69 : i32
    %convert_element_type3A_71 = arith.extui %eq3A_70 : i1 to i32
    %cond3A = arith.constant 0 : i32
    %cond3A_72 = arith.cmpi ne, %convert_element_type3A_71, %cond3A : i32
    scf.if %cond3A_72 {
      %broadcast_in_dim3A_80 = arith.constant 0.000000e+00 : f32
      %broadcast_in_dim3A_81 = vector.broadcast %broadcast_in_dim3A_80 : f32 to vector<8x128xf32>
      %swap3A_82 = arith.constant 0 : index
      %swap3A_83 = arith.constant 0 : index
      %swap3A_84 = vector.load %arg6[%swap3A_82, %swap3A_83] : memref<8x128xf32, #tpu.memory_space<vmem>>, vector<8x128xf32>
      tpu.vector_store %arg6[%swap3A_82, %swap3A_83], %broadcast_in_dim3A_81 {strides = array<i32>} : memref<8x128xf32, #tpu.memory_space<vmem>>, vector<8x128xf32>,
    } else {
    }
    %get3A_73 = arith.constant 0 : index
    %get3A_74 = arith.constant 0 : index
    %get3A_75 = vector.load %arg6[%get3A_73, %get3A_74] : memref<8x128xf32, #tpu.memory_space<vmem>>, vector<8x128xf32>
    %add3A_76 = arith.addf %get3A_75, %concatenate3A : vector<8x128xf32>
    %swap3A_77 = arith.constant 0 : index
    %swap3A_78 = arith.constant 0 : index
    %swap3A_79 = vector.load %arg6[%swap3A_77, %swap3A_78] : memref<8x128xf32, #tpu.memory_space<vmem>>, vector<8x128xf32>
    tpu.vector_store %arg6[%swap3A_77, %swap3A_78], %add3A_76 {strides = array<i32>} : memref<8x128xf32, #tpu.memory_space<vmem>>, vector<8x128xf32>,
    return
  }
  func.func @transform_0(%arg0: i32) -> (i32, i32) {
    %c0_i32 = arith.constant 0 : i32
    %c0_i32_0 = arith.constant 0 : i32
    return %arg0, %c0_i32 : i32, i32
  }
  func.func @transform_1(%arg0: i32) -> (i32, i32) {
    %jit3A = arith.constant 8 : i32
    %div3A = arith.divsi %arg0, %jit3A : i32
    %sign3A = arith.constant 0 : i32
    %sign3A_0 = arith.cmpi sgt, %arg0, %sign3A : i32
    %sign3A_1 = arith.extui %sign3A_0 : i1 to i32
    %sign3A_2 = arith.constant 0 : i32
    %sign3A_3 = arith.cmpi slt, %arg0, %sign3A_2 : i32
    %sign3A_4 = arith.extui %sign3A_3 : i1 to i32
    %sign3A_5 = arith.subi %sign3A_1, %sign3A_4 : i32
    %sign3A_6 = arith.constant 0 : i32
    %sign3A_7 = arith.cmpi sgt, %jit3A, %sign3A_6 : i32
    %sign3A_8 = arith.extui %sign3A_7 : i1 to i32
    %sign3A_9 = arith.constant 0 : i32
    %sign3A_10 = arith.cmpi slt, %jit3A, %sign3A_9 : i32
    %sign3A_11 = arith.extui %sign3A_10 : i1 to i32
    %sign3A_12 = arith.subi %sign3A_8, %sign3A_11 : i32
    %ne3A = arith.cmpi ne, %sign3A_5, %sign3A_12 : i32
    %rem3A = arith.remsi %arg0, %jit3A : i32
    %ne3A_13 = arith.constant 0 : i32
    %ne3A_14 = arith.cmpi ne, %rem3A, %ne3A_13 : i32
    %and3A = arith.andi %ne3A, %ne3A_14 : i1
    %sub3A = arith.constant 1 : i32
    %sub3A_15 = arith.subi %div3A, %sub3A : i32
    %select_n3A = arith.select %and3A, %sub3A_15, %div3A : i32
    %c0_i32 = arith.constant 0 : i32
    %c0_i32_16 = arith.constant 0 : i32
    return %c0_i32, %select_n3A : i32, i32
  }
  func.func @transform_2(%arg0: i32) -> (i32, i32) {
    %c0_i32 = arith.constant 0 : i32
    %c0_i32_0 = arith.constant 0 : i32
    %c0_i32_1 = arith.constant 0 : i32
    return %c0_i32, %c0_i32_0 : i32, i32
  }
  func.func @transform_3(%arg0: i32) -> (i32, i32) {
    %c0_i32 = arith.constant 0 : i32
    %c0_i32_0 = arith.constant 0 : i32
    %c0_i32_1 = arith.constant 0 : i32
    return %c0_i32, %c0_i32_0 : i32, i32
  }
  func.func @transform_4(%arg0: i32) -> (i32, i32) {
    %c0_i32 = arith.constant 0 : i32
    %c0_i32_0 = arith.constant 0 : i32
    return %arg0, %c0_i32 : i32, i32
  }
  func.func @transform_5(%arg0: i32) -> (i32, i32) {
    %c0_i32 = arith.constant 0 : i32
    %c0_i32_0 = arith.constant 0 : i32
    %c0_i32_1 = arith.constant 0 : i32
    return %c0_i32, %c0_i32_0 : i32, i32
  }
}

module attributes {stable_mosaic.version = 14 : i64} {
  func.func @_k2_body(%arg0: i32, %arg1: memref<512x128xbf16, #tpu.memory_space<vmem>>, %arg2: memref<8x128xf32, #tpu.memory_space<vmem>>, %arg3: memref<128x128xf32, #tpu.memory_space<vmem>>, %arg4: memref<512x128xbf16, #tpu.memory_space<vmem>>, %arg5: memref<8x128xf32, #tpu.memory_space<vmem>>) attributes {dimension_semantics = [#tpu.dimension_semantics<arbitrary>], iteration_bounds = array<i64: 256>, scalar_prefetch = 0 : i64, scratch_operands = 0 : i64, tpu.core_type = #tpu.core_type<tc>, window_params = [{transform_indices = @transform_0, window_bounds = array<i64: 512, 128>}, {pipeline_mode = #tpu.pipeline_mode<synchronous>, transform_indices = @transform_1, window_bounds = array<i64: 8, 128>}, {pipeline_mode = #tpu.pipeline_mode<synchronous>, transform_indices = @transform_2, window_bounds = array<i64: 128, 128>}, {transform_indices = @transform_3, window_bounds = array<i64: 512, 128>}, {pipeline_mode = #tpu.pipeline_mode<synchronous>, transform_indices = @transform_4, window_bounds = array<i64: 8, 128>}]} {
    %get3A = arith.constant 0 : index
    %get3A_0 = arith.constant 0 : index
    %get3A_1 = vector.load %arg2[%get3A, %get3A_0] : memref<8x128xf32, #tpu.memory_space<vmem>>, vector<1x128xf32>
    %get3A_2 = arith.constant 1 : index
    %get3A_3 = arith.constant 0 : index
    %get3A_4 = vector.load %arg2[%get3A_2, %get3A_3] : memref<8x128xf32, #tpu.memory_space<vmem>>, vector<1x128xf32>
    %get3A_5 = arith.constant 0 : index
    %get3A_6 = arith.constant 0 : index
    %get3A_7 = vector.load %arg1[%get3A_5, %get3A_6] : memref<512x128xbf16, #tpu.memory_space<vmem>>, vector<512x128xbf16>
    %convert_element_type3A = arith.extf %get3A_7 : vector<512x128xbf16> to vector<512x128xf32>
    %mul3A = vector.broadcast %get3A_1 : vector<1x128xf32> to vector<512x128xf32>
    %mul3A_8 = arith.mulf %convert_element_type3A, %mul3A : vector<512x128xf32>
    %add3A = vector.broadcast %get3A_4 : vector<1x128xf32> to vector<512x128xf32>
    %add3A_9 = arith.addf %mul3A_8, %add3A : vector<512x128xf32>
    %max3A = arith.constant 0.000000e+00 : f32
    %max3A_10 = vector.broadcast %max3A : f32 to vector<512x128xf32>
    %max3A_11 = arith.maximumf %add3A_9, %max3A_10 : vector<512x128xf32>
    %get3A_12 = arith.constant 0 : index
    %get3A_13 = arith.constant 0 : index
    %get3A_14 = vector.load %arg3[%get3A_12, %get3A_13] : memref<128x128xf32, #tpu.memory_space<vmem>>, vector<128x128xf32>
    %dot_general3A = arith.constant dense<0.000000e+00> : vector<512x128xf32>
    %dot_general3A_15 = tpu.matmul %max3A_11, %get3A_14, %dot_general3A {dimension_numbers = #tpu.dot_dimension_numbers<[1], [0], [0], [1], [0, 0, 1, 1], [], []>, transpose_lhs_hint = false} : vector<512x128xf32>, vector<128x128xf32>, vector<512x128xf32> -> vector<512x128xf32>
    %convert_element_type3A_16 = arith.truncf %dot_general3A_15 : vector<512x128xf32> to vector<512x128xbf16>
    %swap3A = arith.constant 0 : index
    %swap3A_17 = arith.constant 0 : index
    %swap3A_18 = vector.load %arg4[%swap3A, %swap3A_17] : memref<512x128xbf16, #tpu.memory_space<vmem>>, vector<512x128xbf16>
    tpu.vector_store %arg4[%swap3A, %swap3A_17], %convert_element_type3A_16 {strides = array<i32>} : memref<512x128xbf16, #tpu.memory_space<vmem>>, vector<512x128xbf16>,
    %reduce_sum3A = arith.constant dense<0.000000e+00> : vector<128xf32>
    %reduce_sum3A_19 = vector.multi_reduction <add>, %dot_general3A_15, %reduce_sum3A [0] : vector<512x128xf32> to vector<128xf32>
    %broadcast_in_dim3A = vector.shape_cast %reduce_sum3A_19 : vector<128xf32> to vector<1x128xf32>
    %mul3A_20 = arith.mulf %dot_general3A_15, %dot_general3A_15 : vector<512x128xf32>
    %reduce_sum3A_21 = arith.constant dense<0.000000e+00> : vector<128xf32>
    %reduce_sum3A_22 = vector.multi_reduction <add>, %mul3A_20, %reduce_sum3A_21 [0] : vector<512x128xf32> to vector<128xf32>
    %broadcast_in_dim3A_23 = vector.shape_cast %reduce_sum3A_22 : vector<128xf32> to vector<1x128xf32>
    %broadcast_in_dim3A_24 = arith.constant 0.000000e+00 : f32
    %broadcast_in_dim3A_25 = vector.broadcast %broadcast_in_dim3A_24 : f32 to vector<6x128xf32>
    %concatenate3A = tpu.concatenate %broadcast_in_dim3A, %broadcast_in_dim3A_23, %broadcast_in_dim3A_25 in 0 : vector<1x128xf32>, vector<1x128xf32>, vector<6x128xf32> -> vector<8x128xf32>
    %eq3A = arith.constant 0 : i32
    %eq3A_26 = arith.cmpi eq, %arg0, %eq3A : i32
    %convert_element_type3A_27 = arith.extui %eq3A_26 : i1 to i32
    %cond3A = arith.constant 0 : i32
    %cond3A_28 = arith.cmpi ne, %convert_element_type3A_27, %cond3A : i32
    scf.if %cond3A_28 {
      %broadcast_in_dim3A_36 = arith.constant 0.000000e+00 : f32
      %broadcast_in_dim3A_37 = vector.broadcast %broadcast_in_dim3A_36 : f32 to vector<8x128xf32>
      %swap3A_38 = arith.constant 0 : index
      %swap3A_39 = arith.constant 0 : index
      %swap3A_40 = vector.load %arg5[%swap3A_38, %swap3A_39] : memref<8x128xf32, #tpu.memory_space<vmem>>, vector<8x128xf32>
      tpu.vector_store %arg5[%swap3A_38, %swap3A_39], %broadcast_in_dim3A_37 {strides = array<i32>} : memref<8x128xf32, #tpu.memory_space<vmem>>, vector<8x128xf32>,
    } else {
    }
    %get3A_29 = arith.constant 0 : index
    %get3A_30 = arith.constant 0 : index
    %get3A_31 = vector.load %arg5[%get3A_29, %get3A_30] : memref<8x128xf32, #tpu.memory_space<vmem>>, vector<8x128xf32>
    %add3A_32 = arith.addf %get3A_31, %concatenate3A : vector<8x128xf32>
    %swap3A_33 = arith.constant 0 : index
    %swap3A_34 = arith.constant 0 : index
    %swap3A_35 = vector.load %arg5[%swap3A_33, %swap3A_34] : memref<8x128xf32, #tpu.memory_space<vmem>>, vector<8x128xf32>
    tpu.vector_store %arg5[%swap3A_33, %swap3A_34], %add3A_32 {strides = array<i32>} : memref<8x128xf32, #tpu.memory_space<vmem>>, vector<8x128xf32>,
    return
  }
  func.func @transform_0(%arg0: i32) -> (i32, i32) {
    %c0_i32 = arith.constant 0 : i32
    %c0_i32_0 = arith.constant 0 : i32
    return %arg0, %c0_i32 : i32, i32
  }
  func.func @transform_1(%arg0: i32) -> (i32, i32) {
    %c0_i32 = arith.constant 0 : i32
    %c0_i32_0 = arith.constant 0 : i32
    %c0_i32_1 = arith.constant 0 : i32
    return %c0_i32, %c0_i32_0 : i32, i32
  }
  func.func @transform_2(%arg0: i32) -> (i32, i32) {
    %c0_i32 = arith.constant 0 : i32
    %c0_i32_0 = arith.constant 0 : i32
    %c0_i32_1 = arith.constant 0 : i32
    return %c0_i32, %c0_i32_0 : i32, i32
  }
  func.func @transform_3(%arg0: i32) -> (i32, i32) {
    %c0_i32 = arith.constant 0 : i32
    %c0_i32_0 = arith.constant 0 : i32
    return %arg0, %c0_i32 : i32, i32
  }
  func.func @transform_4(%arg0: i32) -> (i32, i32) {
    %c0_i32 = arith.constant 0 : i32
    %c0_i32_0 = arith.constant 0 : i32
    %c0_i32_1 = arith.constant 0 : i32
    return %c0_i32, %c0_i32_0 : i32, i32
  }
}

module attributes {stable_mosaic.version = 14 : i64} {
  func.func @_k2_body(%arg0: i32, %arg1: memref<512x128xbf16, #tpu.memory_space<vmem>>, %arg2: memref<8x128xf32, #tpu.memory_space<vmem>>, %arg3: memref<128x256xf32, #tpu.memory_space<vmem>>, %arg4: memref<512x256xbf16, #tpu.memory_space<vmem>>, %arg5: memref<8x256xf32, #tpu.memory_space<vmem>>) attributes {dimension_semantics = [#tpu.dimension_semantics<arbitrary>], iteration_bounds = array<i64: 256>, scalar_prefetch = 0 : i64, scratch_operands = 0 : i64, tpu.core_type = #tpu.core_type<tc>, window_params = [{transform_indices = @transform_0, window_bounds = array<i64: 512, 128>}, {pipeline_mode = #tpu.pipeline_mode<synchronous>, transform_indices = @transform_1, window_bounds = array<i64: 8, 128>}, {pipeline_mode = #tpu.pipeline_mode<synchronous>, transform_indices = @transform_2, window_bounds = array<i64: 128, 256>}, {transform_indices = @transform_3, window_bounds = array<i64: 512, 256>}, {pipeline_mode = #tpu.pipeline_mode<synchronous>, transform_indices = @transform_4, window_bounds = array<i64: 8, 256>}]} {
    %get3A = arith.constant 0 : index
    %get3A_0 = arith.constant 0 : index
    %get3A_1 = vector.load %arg2[%get3A, %get3A_0] : memref<8x128xf32, #tpu.memory_space<vmem>>, vector<1x128xf32>
    %get3A_2 = arith.constant 1 : index
    %get3A_3 = arith.constant 0 : index
    %get3A_4 = vector.load %arg2[%get3A_2, %get3A_3] : memref<8x128xf32, #tpu.memory_space<vmem>>, vector<1x128xf32>
    %get3A_5 = arith.constant 0 : index
    %get3A_6 = arith.constant 0 : index
    %get3A_7 = vector.load %arg1[%get3A_5, %get3A_6] : memref<512x128xbf16, #tpu.memory_space<vmem>>, vector<512x128xbf16>
    %convert_element_type3A = arith.extf %get3A_7 : vector<512x128xbf16> to vector<512x128xf32>
    %mul3A = vector.broadcast %get3A_1 : vector<1x128xf32> to vector<512x128xf32>
    %mul3A_8 = arith.mulf %convert_element_type3A, %mul3A : vector<512x128xf32>
    %add3A = vector.broadcast %get3A_4 : vector<1x128xf32> to vector<512x128xf32>
    %add3A_9 = arith.addf %mul3A_8, %add3A : vector<512x128xf32>
    %max3A = arith.constant 0.000000e+00 : f32
    %max3A_10 = vector.broadcast %max3A : f32 to vector<512x128xf32>
    %max3A_11 = arith.maximumf %add3A_9, %max3A_10 : vector<512x128xf32>
    %get3A_12 = arith.constant 0 : index
    %get3A_13 = arith.constant 0 : index
    %get3A_14 = vector.load %arg3[%get3A_12, %get3A_13] : memref<128x256xf32, #tpu.memory_space<vmem>>, vector<128x256xf32>
    %dot_general3A = arith.constant dense<0.000000e+00> : vector<512x256xf32>
    %dot_general3A_15 = tpu.matmul %max3A_11, %get3A_14, %dot_general3A {dimension_numbers = #tpu.dot_dimension_numbers<[1], [0], [0], [1], [0, 0, 1, 1], [], []>, transpose_lhs_hint = false} : vector<512x128xf32>, vector<128x256xf32>, vector<512x256xf32> -> vector<512x256xf32>
    %convert_element_type3A_16 = arith.truncf %dot_general3A_15 : vector<512x256xf32> to vector<512x256xbf16>
    %swap3A = arith.constant 0 : index
    %swap3A_17 = arith.constant 0 : index
    %swap3A_18 = vector.load %arg4[%swap3A, %swap3A_17] : memref<512x256xbf16, #tpu.memory_space<vmem>>, vector<512x256xbf16>
    tpu.vector_store %arg4[%swap3A, %swap3A_17], %convert_element_type3A_16 {strides = array<i32>} : memref<512x256xbf16, #tpu.memory_space<vmem>>, vector<512x256xbf16>,
    %reduce_sum3A = arith.constant dense<0.000000e+00> : vector<256xf32>
    %reduce_sum3A_19 = vector.multi_reduction <add>, %dot_general3A_15, %reduce_sum3A [0] : vector<512x256xf32> to vector<256xf32>
    %broadcast_in_dim3A = vector.shape_cast %reduce_sum3A_19 : vector<256xf32> to vector<1x256xf32>
    %mul3A_20 = arith.mulf %dot_general3A_15, %dot_general3A_15 : vector<512x256xf32>
    %reduce_sum3A_21 = arith.constant dense<0.000000e+00> : vector<256xf32>
    %reduce_sum3A_22 = vector.multi_reduction <add>, %mul3A_20, %reduce_sum3A_21 [0] : vector<512x256xf32> to vector<256xf32>
    %broadcast_in_dim3A_23 = vector.shape_cast %reduce_sum3A_22 : vector<256xf32> to vector<1x256xf32>
    %broadcast_in_dim3A_24 = arith.constant 0.000000e+00 : f32
    %broadcast_in_dim3A_25 = vector.broadcast %broadcast_in_dim3A_24 : f32 to vector<6x256xf32>
    %concatenate3A = tpu.concatenate %broadcast_in_dim3A, %broadcast_in_dim3A_23, %broadcast_in_dim3A_25 in 0 : vector<1x256xf32>, vector<1x256xf32>, vector<6x256xf32> -> vector<8x256xf32>
    %eq3A = arith.constant 0 : i32
    %eq3A_26 = arith.cmpi eq, %arg0, %eq3A : i32
    %convert_element_type3A_27 = arith.extui %eq3A_26 : i1 to i32
    %cond3A = arith.constant 0 : i32
    %cond3A_28 = arith.cmpi ne, %convert_element_type3A_27, %cond3A : i32
    scf.if %cond3A_28 {
      %broadcast_in_dim3A_36 = arith.constant 0.000000e+00 : f32
      %broadcast_in_dim3A_37 = vector.broadcast %broadcast_in_dim3A_36 : f32 to vector<8x256xf32>
      %swap3A_38 = arith.constant 0 : index
      %swap3A_39 = arith.constant 0 : index
      %swap3A_40 = vector.load %arg5[%swap3A_38, %swap3A_39] : memref<8x256xf32, #tpu.memory_space<vmem>>, vector<8x256xf32>
      tpu.vector_store %arg5[%swap3A_38, %swap3A_39], %broadcast_in_dim3A_37 {strides = array<i32>} : memref<8x256xf32, #tpu.memory_space<vmem>>, vector<8x256xf32>,
    } else {
    }
    %get3A_29 = arith.constant 0 : index
    %get3A_30 = arith.constant 0 : index
    %get3A_31 = vector.load %arg5[%get3A_29, %get3A_30] : memref<8x256xf32, #tpu.memory_space<vmem>>, vector<8x256xf32>
    %add3A_32 = arith.addf %get3A_31, %concatenate3A : vector<8x256xf32>
    %swap3A_33 = arith.constant 0 : index
    %swap3A_34 = arith.constant 0 : index
    %swap3A_35 = vector.load %arg5[%swap3A_33, %swap3A_34] : memref<8x256xf32, #tpu.memory_space<vmem>>, vector<8x256xf32>
    tpu.vector_store %arg5[%swap3A_33, %swap3A_34], %add3A_32 {strides = array<i32>} : memref<8x256xf32, #tpu.memory_space<vmem>>, vector<8x256xf32>,
    return
  }
  func.func @transform_0(%arg0: i32) -> (i32, i32) {
    %c0_i32 = arith.constant 0 : i32
    %c0_i32_0 = arith.constant 0 : i32
    return %arg0, %c0_i32 : i32, i32
  }
  func.func @transform_1(%arg0: i32) -> (i32, i32) {
    %c0_i32 = arith.constant 0 : i32
    %c0_i32_0 = arith.constant 0 : i32
    %c0_i32_1 = arith.constant 0 : i32
    return %c0_i32, %c0_i32_0 : i32, i32
  }
  func.func @transform_2(%arg0: i32) -> (i32, i32) {
    %c0_i32 = arith.constant 0 : i32
    %c0_i32_0 = arith.constant 0 : i32
    %c0_i32_1 = arith.constant 0 : i32
    return %c0_i32, %c0_i32_0 : i32, i32
  }
  func.func @transform_3(%arg0: i32) -> (i32, i32) {
    %c0_i32 = arith.constant 0 : i32
    %c0_i32_0 = arith.constant 0 : i32
    return %arg0, %c0_i32 : i32, i32
  }
  func.func @transform_4(%arg0: i32) -> (i32, i32) {
    %c0_i32 = arith.constant 0 : i32
    %c0_i32_0 = arith.constant 0 : i32
    %c0_i32_1 = arith.constant 0 : i32
    return %c0_i32, %c0_i32_0 : i32, i32
  }
}

module attributes {stable_mosaic.version = 14 : i64} {
  func.func @_k4_body(%arg0: i32, %arg1: memref<512x256xbf16, #tpu.memory_space<vmem>>, %arg2: memref<8x256xf32, #tpu.memory_space<vmem>>, %arg3: memref<16x256xf32, #tpu.memory_space<vmem>>) attributes {dimension_semantics = [#tpu.dimension_semantics<arbitrary>], iteration_bounds = array<i64: 256>, scalar_prefetch = 0 : i64, scratch_operands = 0 : i64, tpu.core_type = #tpu.core_type<tc>, window_params = [{transform_indices = @transform_0, window_bounds = array<i64: 512, 256>}, {pipeline_mode = #tpu.pipeline_mode<synchronous>, transform_indices = @transform_1, window_bounds = array<i64: 8, 256>}, {transform_indices = @transform_2, window_bounds = array<i64: 16, 256>}]} {
    %get3A = arith.constant 0 : index
    %get3A_0 = arith.constant 0 : index
    %get3A_1 = vector.load %arg2[%get3A, %get3A_0] : memref<8x256xf32, #tpu.memory_space<vmem>>, vector<1x256xf32>
    %get3A_2 = arith.constant 1 : index
    %get3A_3 = arith.constant 0 : index
    %get3A_4 = vector.load %arg2[%get3A_2, %get3A_3] : memref<8x256xf32, #tpu.memory_space<vmem>>, vector<1x256xf32>
    %get3A_5 = arith.constant 0 : index
    %get3A_6 = arith.constant 0 : index
    %get3A_7 = vector.load %arg1[%get3A_5, %get3A_6] : memref<512x256xbf16, #tpu.memory_space<vmem>>, vector<512x256xbf16>
    %convert_element_type3A = arith.extf %get3A_7 : vector<512x256xbf16> to vector<512x256xf32>
    %mul3A = vector.broadcast %get3A_1 : vector<1x256xf32> to vector<512x256xf32>
    %mul3A_8 = arith.mulf %convert_element_type3A, %mul3A : vector<512x256xf32>
    %add3A = vector.broadcast %get3A_4 : vector<1x256xf32> to vector<512x256xf32>
    %add3A_9 = arith.addf %mul3A_8, %add3A : vector<512x256xf32>
    %max3A = arith.constant 0.000000e+00 : f32
    %max3A_10 = vector.broadcast %max3A : f32 to vector<512x256xf32>
    %max3A_11 = arith.maximumf %add3A_9, %max3A_10 : vector<512x256xf32>
    %slice3A = vector.extract_strided_slice %max3A_11 {offsets = [0, 0], sizes = [32, 256], strides = [1, 1]} : vector<512x256xf32> to vector<32x256xf32>
    %reduce_max3A = arith.constant dense<0xFF800000> : vector<256xf32>
    %reduce_max3A_12 = vector.multi_reduction <maximumf>, %slice3A, %reduce_max3A [0] : vector<32x256xf32> to vector<256xf32>
    %broadcast_in_dim3A = vector.shape_cast %reduce_max3A_12 : vector<256xf32> to vector<1x256xf32>
    %slice3A_13 = vector.extract_strided_slice %max3A_11 {offsets = [32, 0], sizes = [32, 256], strides = [1, 1]} : vector<512x256xf32> to vector<32x256xf32>
    %reduce_max3A_14 = arith.constant dense<0xFF800000> : vector<256xf32>
    %reduce_max3A_15 = vector.multi_reduction <maximumf>, %slice3A_13, %reduce_max3A_14 [0] : vector<32x256xf32> to vector<256xf32>
    %broadcast_in_dim3A_16 = vector.shape_cast %reduce_max3A_15 : vector<256xf32> to vector<1x256xf32>
    %slice3A_17 = vector.extract_strided_slice %max3A_11 {offsets = [64, 0], sizes = [32, 256], strides = [1, 1]} : vector<512x256xf32> to vector<32x256xf32>
    %reduce_max3A_18 = arith.constant dense<0xFF800000> : vector<256xf32>
    %reduce_max3A_19 = vector.multi_reduction <maximumf>, %slice3A_17, %reduce_max3A_18 [0] : vector<32x256xf32> to vector<256xf32>
    %broadcast_in_dim3A_20 = vector.shape_cast %reduce_max3A_19 : vector<256xf32> to vector<1x256xf32>
    %slice3A_21 = vector.extract_strided_slice %max3A_11 {offsets = [96, 0], sizes = [32, 256], strides = [1, 1]} : vector<512x256xf32> to vector<32x256xf32>
    %reduce_max3A_22 = arith.constant dense<0xFF800000> : vector<256xf32>
    %reduce_max3A_23 = vector.multi_reduction <maximumf>, %slice3A_21, %reduce_max3A_22 [0] : vector<32x256xf32> to vector<256xf32>
    %broadcast_in_dim3A_24 = vector.shape_cast %reduce_max3A_23 : vector<256xf32> to vector<1x256xf32>
    %slice3A_25 = vector.extract_strided_slice %max3A_11 {offsets = [128, 0], sizes = [32, 256], strides = [1, 1]} : vector<512x256xf32> to vector<32x256xf32>
    %reduce_max3A_26 = arith.constant dense<0xFF800000> : vector<256xf32>
    %reduce_max3A_27 = vector.multi_reduction <maximumf>, %slice3A_25, %reduce_max3A_26 [0] : vector<32x256xf32> to vector<256xf32>
    %broadcast_in_dim3A_28 = vector.shape_cast %reduce_max3A_27 : vector<256xf32> to vector<1x256xf32>
    %slice3A_29 = vector.extract_strided_slice %max3A_11 {offsets = [160, 0], sizes = [32, 256], strides = [1, 1]} : vector<512x256xf32> to vector<32x256xf32>
    %reduce_max3A_30 = arith.constant dense<0xFF800000> : vector<256xf32>
    %reduce_max3A_31 = vector.multi_reduction <maximumf>, %slice3A_29, %reduce_max3A_30 [0] : vector<32x256xf32> to vector<256xf32>
    %broadcast_in_dim3A_32 = vector.shape_cast %reduce_max3A_31 : vector<256xf32> to vector<1x256xf32>
    %slice3A_33 = vector.extract_strided_slice %max3A_11 {offsets = [192, 0], sizes = [32, 256], strides = [1, 1]} : vector<512x256xf32> to vector<32x256xf32>
    %reduce_max3A_34 = arith.constant dense<0xFF800000> : vector<256xf32>
    %reduce_max3A_35 = vector.multi_reduction <maximumf>, %slice3A_33, %reduce_max3A_34 [0] : vector<32x256xf32> to vector<256xf32>
    %broadcast_in_dim3A_36 = vector.shape_cast %reduce_max3A_35 : vector<256xf32> to vector<1x256xf32>
    %slice3A_37 = vector.extract_strided_slice %max3A_11 {offsets = [224, 0], sizes = [32, 256], strides = [1, 1]} : vector<512x256xf32> to vector<32x256xf32>
    %reduce_max3A_38 = arith.constant dense<0xFF800000> : vector<256xf32>
    %reduce_max3A_39 = vector.multi_reduction <maximumf>, %slice3A_37, %reduce_max3A_38 [0] : vector<32x256xf32> to vector<256xf32>
    %broadcast_in_dim3A_40 = vector.shape_cast %reduce_max3A_39 : vector<256xf32> to vector<1x256xf32>
    %slice3A_41 = vector.extract_strided_slice %max3A_11 {offsets = [256, 0], sizes = [32, 256], strides = [1, 1]} : vector<512x256xf32> to vector<32x256xf32>
    %reduce_max3A_42 = arith.constant dense<0xFF800000> : vector<256xf32>
    %reduce_max3A_43 = vector.multi_reduction <maximumf>, %slice3A_41, %reduce_max3A_42 [0] : vector<32x256xf32> to vector<256xf32>
    %broadcast_in_dim3A_44 = vector.shape_cast %reduce_max3A_43 : vector<256xf32> to vector<1x256xf32>
    %slice3A_45 = vector.extract_strided_slice %max3A_11 {offsets = [288, 0], sizes = [32, 256], strides = [1, 1]} : vector<512x256xf32> to vector<32x256xf32>
    %reduce_max3A_46 = arith.constant dense<0xFF800000> : vector<256xf32>
    %reduce_max3A_47 = vector.multi_reduction <maximumf>, %slice3A_45, %reduce_max3A_46 [0] : vector<32x256xf32> to vector<256xf32>
    %broadcast_in_dim3A_48 = vector.shape_cast %reduce_max3A_47 : vector<256xf32> to vector<1x256xf32>
    %slice3A_49 = vector.extract_strided_slice %max3A_11 {offsets = [320, 0], sizes = [32, 256], strides = [1, 1]} : vector<512x256xf32> to vector<32x256xf32>
    %reduce_max3A_50 = arith.constant dense<0xFF800000> : vector<256xf32>
    %reduce_max3A_51 = vector.multi_reduction <maximumf>, %slice3A_49, %reduce_max3A_50 [0] : vector<32x256xf32> to vector<256xf32>
    %broadcast_in_dim3A_52 = vector.shape_cast %reduce_max3A_51 : vector<256xf32> to vector<1x256xf32>
    %slice3A_53 = vector.extract_strided_slice %max3A_11 {offsets = [352, 0], sizes = [32, 256], strides = [1, 1]} : vector<512x256xf32> to vector<32x256xf32>
    %reduce_max3A_54 = arith.constant dense<0xFF800000> : vector<256xf32>
    %reduce_max3A_55 = vector.multi_reduction <maximumf>, %slice3A_53, %reduce_max3A_54 [0] : vector<32x256xf32> to vector<256xf32>
    %broadcast_in_dim3A_56 = vector.shape_cast %reduce_max3A_55 : vector<256xf32> to vector<1x256xf32>
    %slice3A_57 = vector.extract_strided_slice %max3A_11 {offsets = [384, 0], sizes = [32, 256], strides = [1, 1]} : vector<512x256xf32> to vector<32x256xf32>
    %reduce_max3A_58 = arith.constant dense<0xFF800000> : vector<256xf32>
    %reduce_max3A_59 = vector.multi_reduction <maximumf>, %slice3A_57, %reduce_max3A_58 [0] : vector<32x256xf32> to vector<256xf32>
    %broadcast_in_dim3A_60 = vector.shape_cast %reduce_max3A_59 : vector<256xf32> to vector<1x256xf32>
    %slice3A_61 = vector.extract_strided_slice %max3A_11 {offsets = [416, 0], sizes = [32, 256], strides = [1, 1]} : vector<512x256xf32> to vector<32x256xf32>
    %reduce_max3A_62 = arith.constant dense<0xFF800000> : vector<256xf32>
    %reduce_max3A_63 = vector.multi_reduction <maximumf>, %slice3A_61, %reduce_max3A_62 [0] : vector<32x256xf32> to vector<256xf32>
    %broadcast_in_dim3A_64 = vector.shape_cast %reduce_max3A_63 : vector<256xf32> to vector<1x256xf32>
    %slice3A_65 = vector.extract_strided_slice %max3A_11 {offsets = [448, 0], sizes = [32, 256], strides = [1, 1]} : vector<512x256xf32> to vector<32x256xf32>
    %reduce_max3A_66 = arith.constant dense<0xFF800000> : vector<256xf32>
    %reduce_max3A_67 = vector.multi_reduction <maximumf>, %slice3A_65, %reduce_max3A_66 [0] : vector<32x256xf32> to vector<256xf32>
    %broadcast_in_dim3A_68 = vector.shape_cast %reduce_max3A_67 : vector<256xf32> to vector<1x256xf32>
    %slice3A_69 = vector.extract_strided_slice %max3A_11 {offsets = [480, 0], sizes = [32, 256], strides = [1, 1]} : vector<512x256xf32> to vector<32x256xf32>
    %reduce_max3A_70 = arith.constant dense<0xFF800000> : vector<256xf32>
    %reduce_max3A_71 = vector.multi_reduction <maximumf>, %slice3A_69, %reduce_max3A_70 [0] : vector<32x256xf32> to vector<256xf32>
    %broadcast_in_dim3A_72 = vector.shape_cast %reduce_max3A_71 : vector<256xf32> to vector<1x256xf32>
    %concatenate3A = tpu.concatenate %broadcast_in_dim3A, %broadcast_in_dim3A_16, %broadcast_in_dim3A_20, %broadcast_in_dim3A_24, %broadcast_in_dim3A_28, %broadcast_in_dim3A_32, %broadcast_in_dim3A_36, %broadcast_in_dim3A_40, %broadcast_in_dim3A_44, %broadcast_in_dim3A_48, %broadcast_in_dim3A_52, %broadcast_in_dim3A_56, %broadcast_in_dim3A_60, %broadcast_in_dim3A_64, %broadcast_in_dim3A_68, %broadcast_in_dim3A_72 in 0 : vector<1x256xf32>, vector<1x256xf32>, vector<1x256xf32>, vector<1x256xf32>, vector<1x256xf32>, vector<1x256xf32>, vector<1x256xf32>, vector<1x256xf32>, vector<1x256xf32>, vector<1x256xf32>, vector<1x256xf32>, vector<1x256xf32>, vector<1x256xf32>, vector<1x256xf32>, vector<1x256xf32>, vector<1x256xf32> -> vector<16x256xf32>
    %swap3A = arith.constant 0 : index
    %swap3A_73 = arith.constant 0 : index
    %swap3A_74 = vector.load %arg3[%swap3A, %swap3A_73] : memref<16x256xf32, #tpu.memory_space<vmem>>, vector<16x256xf32>
    tpu.vector_store %arg3[%swap3A, %swap3A_73], %concatenate3A {strides = array<i32>} : memref<16x256xf32, #tpu.memory_space<vmem>>, vector<16x256xf32>,
    return
  }
  func.func @transform_0(%arg0: i32) -> (i32, i32) {
    %c0_i32 = arith.constant 0 : i32
    %c0_i32_0 = arith.constant 0 : i32
    return %arg0, %c0_i32 : i32, i32
  }
  func.func @transform_1(%arg0: i32) -> (i32, i32) {
    %c0_i32 = arith.constant 0 : i32
    %c0_i32_0 = arith.constant 0 : i32
    %c0_i32_1 = arith.constant 0 : i32
    return %c0_i32, %c0_i32_0 : i32, i32
  }
  func.func @transform_2(%arg0: i32) -> (i32, i32) {
    %c0_i32 = arith.constant 0 : i32
    %c0_i32_0 = arith.constant 0 : i32
    return %arg0, %c0_i32 : i32, i32
  }
}

</mosaic_0001>

<sc_bundles>
// kernel: kernel.9.cloned.1.call-start
scs
__scs_entry_jumppad:
0x0: {  	(pc) =	sbr.rel $0x88, $3  }
0x1: {  	(tag) =	ssettag $0x0;
	lr =	simm.s32 $0x1  }
0x2: {  	[smem:$0x3F93] =	sst lr;
	_ =	strace $0xD0000000  }
0x3: {  	_ = 	snop  }
0x4: {  	_ = 	snop  }
0x5: {  	_ = 	snop  }
0x6: {  	_ = 	snop  }
0x7: {  	_ = 	snop  }
__scs_overlays_trampoline_lowered:
0x8: {  	[smem:$0x3FA2] =	sst s0  }
0x9: {  	[smem:$0x3FA3] =	sst s1  }
0xa: {  	[smem:$0x3FA4] =	sst s2  }
0xb: {  	[smem:$0x3FA5] =	sst s3  }
0xc: {  	[smem:$0x3FA6] =	sst s4  }
0xd: {  	[smem:$0x3FA7] =	sst s5  }
0xe: {  	[smem:$0x3FA8] =	sst s6  }
0xf: {  	[smem:$0x3FA9] =	sst s7  }
0x10: {  	[smem:$0x3FAA] =	sst s8  }
0x11: {  	[smem:$0x3FAB] =	sst s9;
	s0 =	simm.s32 @!p0 $0x0  }
0x12: {  	s1 =	sld [smem:$0x3F91];
	s0 =	simm.s32 @p0 $0x1  }
0x13: {  	[smem:$0x3FAC] =	sst s0;
	s0 =	simm.s32 @!p1 $0x0  }
0x14: {  	s2 =	sld [smem:$0x3F90];
	s0 =	simm.s32 @p1 $0x1  }
0x15: {  	[smem:$0x3FAD] =	sst s0;
	s0 =	simm.s32 @!p2 $0x0  }
0x16: {  	s3 =	sld [smem:$0x3FDB];
	s0 =	simm.s32 @p2 $0x1  }
0x17: {  	s4 =	simm.s32 $0x1BF5;
	[smem:$0x3FAF] =	sst s0  }
0x18: {  	s0 =	sld [smem:$0x3F92];
	_ =	swait.ge [sflag:s4], $0x0  }
0x19: {  	s7 =	sld [smem:$0x3F93]  }
0x1a: {  	s8 =	sadd.s32 $0xFFFFE003, lr  }
0x1b: {  	s9 =	sadd.s32 $0xFFFFFEF7, lr;
	s5 =	simm.s32 $0xFFFFFFFF;
	p2 =	slt.u32 s8, $0xFFFFF086  }
0x1c: {  	p1 =	slt.u32 s9, $0xF7A;
	s5 =	simm.s32 @!p2 $0x0  }
0x1d: {  	s5 =	simm.s32 @p1 $0x1;
	p0 =	seq.s32 s7, s2  }
0x1e: {  	s7 =	smul.u32 @!p0 $0xF7A, s2;
	p2 =	seq.s32 @!p0 s5, $0x0  }
0x1f: {  	s9 =	smul.u32 $0xF7A, s1;
	s8 =	simm.s32 @!p0 $0x1BF5;
	p2 =	por !p2, p0  }
0x20: {  	[sflag:s8] =	ssyncset.s32 @!p0 $0xFFFFF086;
	s6 =	sadd.s32 @!p0 s3, s7;
	s7 =	simm.s32 @!p0 $0x108  }
0x21: {  	s3 =	sadd.s32 s3, s9;
	s6 =	sadd.s32 @!p0 $0x88, s6;
	s7 =	simm.s32 @p2 $0x1082  }
0x22: {  	[simem:s7], [sflag:s8] =	dma.local @!p0 [hbm:s6], $0xF7A  }
0x23: {  	s9 =	sor.u32 $0xD0000000, s2;
	s6 =	simm.s32 $0x108;
	_ =	swait.ge @!p0 [sflag:s8], $0x0  }
0x24: {  	s3 =	sadd.s32 $0x88, s3;
	s6 =	simm.s32 @!p1 $0x1082;
	[sflag:s4] =	ssyncset.s32 $0xFFFFF086  }
0x25: {  	[simem:s6], [sflag:s4] =	dma.local [hbm:s3], $0xF7A  }
0x26: {  	[smem:$0x3F93] =	sst s1;
	(tag) =	ssettag s2;
	_ =	strace s9  }
0x27: {  	s1 =	sld [smem:$0x3FA3]  }
0x28: {  	s2 =	sld [smem:$0x3FA4]  }
0x29: {  	s4 =	sld [smem:$0x3FA6]  }
0x2a: {  	p0 =	seq.s32 s5, $0x0;
	s5 =	sld [smem:$0x3FA7]  }
0x2b: {  	s6 =	sld [smem:$0x3FA8]  }
0x2c: {  	s7 =	sld [smem:$0x3FA9]  }
0x2d: {  	s3 =	simm.s32 $0x108;
	s8 =	sld [smem:$0x3FAA]  }
0x2e: {  	s3 =	simm.s32 @!p0 $0x1082;
	s9 =	sld [smem:$0x3FAB]  }
0x2f: {  	lr =	sadd.s32 s0, s3;
	s0 =	sld [smem:$0x3FA2]  }
0x30: {  	s3 =	sld [smem:$0x3FA5]  }
0x31: {  	[smem:$0x3FAE] =	sst s10  }
0x32: {  	s10 =	sld [smem:$0x3FAC];
	_ =	sdelay $0x3  }
0x33: {  	p0 =	seq.s32 s10, $0x1;
	s10 =	sld [smem:$0x3FAE];
	_ =	sdelay $0x3  }
0x34: {  	[smem:$0x3FAE] =	sst s10  }
0x35: {  	s10 =	sld [smem:$0x3FAD];
	_ =	sdelay $0x3  }
0x36: {  	p1 =	seq.s32 s10, $0x1;
	s10 =	sld [smem:$0x3FAE];
	_ =	sdelay $0x3  }
0x37: {  	[smem:$0x3FAE] =	sst s10  }
0x38: {  	s10 =	sld [smem:$0x3FAF]  }
0x39: {  	_ = 	snop;
	(pc) =	sbr.ind lr, $3  }
0x3a: {  	_ = 	snop  }
0x3b: {  	_ = 	snop  }
0x3c: {  	p2 =	seq.s32 s10, $0x1;
	s10 =	sld [smem:$0x3FAE]  }
0x3d: {  	_ =	shalt  }
0x3e: {  	_ =	shalt  }
0x3f: {  	_ =	shalt  }
0x40: {  	_ =	shalt  }
0x41: {  	_ =	shalt  }
0x42: {  	_ =	shalt  }
0x43: {  	_ =	shalt  }
0x44: {  	_ =	shalt  }
0x45: {  	_ =	shalt  }
0x46: {  	_ =	shalt  }
0x47: {  	_ =	shalt  }
0x48: {  	_ =	shalt  }
0x49: {  	_ =	shalt  }
0x4a: {  	_ =	shalt  }
0x4b: {  	_ =	shalt  }
0x4c: {  	_ =	shalt  }
0x4d: {  	_ =	shalt  }
0x4e: {  	_ =	shalt  }
0x4f: {  	_ =	shalt  }
0x50: {  	_ =	shalt  }
0x51: {  	_ =	shalt  }
0x52: {  	_ =	shalt  }
0x53: {  	_ =	shalt  }
0x54: {  	_ =	shalt  }
0x55: {  	_ =	shalt  }
0x56: {  	_ =	shalt  }
0x57: {  	_ =	shalt  }
0x58: {  	_ =	shalt  }
0x59: {  	_ =	shalt  }
0x5a: {  	_ =	shalt  }
0x5b: {  	_ =	shalt  }
0x5c: {  	_ =	shalt  }
0x5d: {  	_ =	shalt  }
0x5e: {  	_ =	shalt  }
0x5f: {  	_ =	shalt  }
0x60: {  	_ =	shalt  }
0x61: {  	_ =	shalt  }
0x62: {  	_ =	shalt  }
0x63: {  	_ =	shalt  }
0x64: {  	_ =	shalt  }
0x65: {  	_ =	shalt  }
0x66: {  	_ =	shalt  }
0x67: {  	_ =	shalt  }
0x68: {  	_ =	shalt  }
0x69: {  	_ =	shalt  }
0x6a: {  	_ =	shalt  }
0x6b: {  	_ =	shalt  }
0x6c: {  	_ =	shalt  }
0x6d: {  	_ =	shalt  }
0x6e: {  	_ =	shalt  }
0x6f: {  	_ =	shalt  }
0x70: {  	_ =	shalt  }
0x71: {  	_ =	shalt  }
0x72: {  	_ =	shalt  }
0x73: {  	_ =	shalt  }
0x74: {  	_ =	shalt  }
0x75: {  	_ =	shalt  }
0x76: {  	_ =	shalt  }
0x77: {  	_ =	shalt  }
0x78: {  	_ =	shalt  }
0x79: {  	_ =	shalt  }
0x7a: {  	_ =	shalt  }
0x7b: {  	_ =	shalt  }
0x7c: {  	_ =	shalt  }
0x7d: {  	_ =	shalt  }
0x7e: {  	_ =	shalt  }
0x7f: {  	_ =	shalt  }
0x80: {  	_ =	shalt  }
0x81: {  	_ =	shalt  }
0x82: {  	_ =	shalt  }
0x83: {  	_ =	shalt  }
0x84: {  	_ =	shalt  }
0x85: {  	_ =	shalt  }
0x86: {  	_ =	shalt  }
0x87: {  	_ =	shalt  }
.Lfunc_end0:
.L_simem_size_0:
called_computation_lowered:
.L_overlay_start_0:
0x88: {  	s2 =	sld [smem:$0x3FD9]  }
0x89: {  	s3 =	sld [smem:$0x3FFE];
	_ =	sdelay $0x1  }
0x8a: {  	s1 =	srdreg.scid  }
0x8b: {  	s0 =	sand.u32 $0x1, s1  }
0x8c: {  	s14 =	sshll.u32 s0, $0xA;
	s2 =	sadd.s32 s3, s2  }
0x8d: {  	s2 =	sadd.s32 s2, s14  }
0x8e: {  	[smem:$0x3FBA] =	sst s2  }
0x8f: {  	_ = 	snop  }
0x90: {  	s2 =	sld [smem:$0x3FD0];
	_ =	sdelay $0x2  }
0x91: {  	s15 =	simm.s32 $0xA;
	s4 =	simm.s32 $0x10  }
0x92: {  	[smem:s4], [sflag:s15] =	dma.local [hbm:s2], $0x1  }
0x93: {  	_ =	swait.eq [sflag:s15], $0x1  }
0x94: {  	[sflag:s15] =	ssyncset.done $0x0  }
0x95: {  	[sflag:s15] =	ssyncadd.s32 $0xFFFFFFFF  }
0x96: {  	s16 =	sld [smem:$0x11];
	(tm) =	ssettm $0x1  }
0x97: {  	s17 =	sld [smem:$0x3FFB];
	_ =	sdelay $0x3  }
0x98: {  	_ =	strace s17  }
0x99: {  	s3 =	sld [smem:$0x3FFC];
	_ =	sdelay $0x3  }
0x9a: {  	_ =	strace s3  }
0x9b: {  	s3 =	sld [smem:$0x3FFD];
	_ =	sdelay $0x3  }
0x9c: {  	_ =	strace s3  }
0x9d: {  	_ =	strace $0x8FFFFFFF  }
0x9e: {  	s18 =	sld [smem:$0x3FDB];
	_ =	sdelay $0x1  }
0x9f: {  	s19 =	simm.s32 $_scs_section_size  }
0xa0: {  	s5 =	simm.s32 $_size__tile_overlayer_lowered;
	s6 =	simm.s32 $_tile_overlayer_lowered  }
0xa1: {  	s22 =	simm.s32 $0x1BFF;
	s21 =	sshll.u32 s6, $0x1;
	s3 =	sadd.s32 s19, s18  }
0xa2: {  	s7 =	simm.s32 $0x0;
	s20 =	sshll.u32 s5, $0x1;
	s5 =	sadd.s32 s21, s3  }
0xa3: {  	[timem:s7], [sflag:s22] =	dma.local [hbm:s5], s20  }
0xa4: {  	_ =	swait.ge [sflag:s22], s20  }
0xa5: {  	s4 =	ssub.s32 $0x0, s20;
	[sflag:s22] =	ssyncset.done $0x0  }
0xa6: {  	[sflag:s22] =	ssyncadd.s32 s4;
	_ =	sdelay $0x1  }
0xa7: {  	s23 =	simm.s32 $0x1B8B  }
0xa8: {  	_ =	swait.ge [sflag:s23], $0x1  }
0xa9: {  	[sflag:s23] =	ssyncset.done $0x0  }
0xaa: {  	s25 =	simm.s32 $0x1B8E;
	s24 =	sld [smem:$0x3FFE];
	[sflag:s23] =	ssyncadd.s32 $0xFFFFFFFF  }
0xab: {  	s26 =	simm.s32 $execute0_lowered;
	[smem:$0x3FD2] =	sst s25  }
0xac: {  	s5 =	sshll.u32 s26, $0x1;
	_ =	strace $0x80000046;
	[dreg:$0x1] =	wrdreg $0xFFFFFFFF  }
0xad: {  	s28 =	simm.s32 $_size_execute0_lowered;
	s3 =	sadd.s32 s3, s5;
	[dreg:$0x0] =	wrdreg $0x0  }
0xae: {  	s5 =	sshll.u32 s28, $0x1;
	[dreg:$0x2] =	wrdreg s3  }
0xaf: {  	[dreg:$0x3] =	wrdreg s5  }
0xb0: {  	[dreg:$0x4] =	wrdreg $0xC0  }
0xb1: {  	_ =	task [dreg:s7], $0x5FFFF  }
0xb2: {  	[dreg:$0x1] =	wrdreg $0xFFFFFFFF  }
0xb3: {  	[dreg:$0x0] =	wrdreg $0x60  }
0xb4: {  	[dreg:$0x2] =	wrdreg s16  }
0xb5: {  	[dreg:$0x3] =	wrdreg s24  }
0xb6: {  	[dreg:$0x4] =	wrdreg $0x9  }
0xb7: {  	_ =	task.clear_ibuf [dreg:s7], $0x5FFFF;
	_ =	strace $0x90000046  }
0xb8: {  	s29 =	simm.s32 $0x9;
	_ =	strace $0x80000048  }
0xb9: {  	_ =	swait.ge [sflag:s29], $0x1  }
0xba: {  	[sflag:s29] =	ssyncadd.s32 $0xFFFFFFFF  }
0xbb: {  	_ =	strace $0x90000048  }
0xbc: {  	_ =	sfence  }
0xbd: {  	s30 =	sld [smem:$0x0];
	_ =	sdelay $0x2  }
0xbe: {  	s31 =	sshll.u32 s1, $0xD;
	s1 =	sshrl.u32 s1, $0x2  }
0xbf: {  	s3 =	sand.u32 $0x4000, s31;
	s1 =	sadd.s32 s1, s30  }
0xc0: {  	s0 =	sor.u32 s3, s0;
	s1 =	sshll.u32 s1, $0x11  }
0xc1: {  	s0 =	sor.u32 s1, s0  }
0xc2: {  	s0 =	sadd.s32 $0x8F2B, s0  }
0xc3: {  	[sflag:s0] =	ssyncadd.remote.s32 $0x1  }
0xc4: {  	_ =	sfence.sel $0xFFFF  }
0xc5: {  	[dreg:$0x0] =	wrdreg $0xFFFFFFFF;
	(pc) =	sbr.abs _section_cstart, $3  }
0xc6: {  	[dreg:$0x1] =	wrdreg $0xFFFFFFFF  }
0xc7: {  	_ =	task.clear_ibuf [dreg:s7], $0x2FFFF;
	_ =	strace $0x9FFFFFFF  }
0xc8: {  	(tm) =	ssettm $0x7FFFFFFF  }
0xc9: {  	_ =	shalt  }
tec
execute0_lowered:
.L_overlay_start_1:
0x0: {  	(tag) =	ssettag $0x1  }
0x1: {  	s3 =	rddreg [dreg:$0x0]  }
0x2: {  	s1 =	srdreg.scid;
	s4 =	rddreg [dreg:$0x1];
	s2 =	simm.s32 $0x0  }
0x3: {  	s0 =	stileid.u32;
	s13 =	simm.s32 $0x900;
	[smem:$0x7FF] =	sst s2  }
0x4: {  	s14 =	simm.s32 $0x1100;
	_ =	strace $0x80000047;
	[dreg:$0x5] =	wrdreg s13  }
0x5: {  	s15 =	simm.s32 $0x1900;
	s16 =	simm.s32 $0x2100;
	[dreg:$0x6] =	wrdreg s14  }
0x6: {  	s17 =	simm.s32 $0x2900;
	s19 =	simm.s32 $0x3100;
	[dreg:$0x7] =	wrdreg s15  }
0x7: {  	s20 =	simm.s32 $0x3900;
	s22 =	simm.s32 $0x4100;
	[dreg:$0x8] =	wrdreg s16  }
0x8: {  	s23 =	simm.s32 $0x4900;
	s24 =	simm.s32 $0x5100;
	[dreg:$0x9] =	wrdreg s17  }
0x9: {  	s25 =	simm.s32 $0x5900;
	s26 =	simm.s32 $0x6100;
	[dreg:$0xa] =	wrdreg s19  }
0xa: {  	s30 =	simm.s32 $0x6900;
	s31 =	simm.s32 $0x7100;
	[dreg:$0xb] =	wrdreg s20  }
0xb: {  	s9 =	simm.s32 $0x80;
	s10 =	simm.s32 $0x8100;
	[dreg:$0xc] =	wrdreg s22  }
0xc: {  	s11 =	simm.s32 $0x8900;
	s12 =	simm.s32 $0x9100;
	[dreg:$0xd] =	wrdreg s23  }
0xd: {  	s28 =	simm.s32 $0x2;
	s29 =	simm.s32 $0x0;
	[dreg:$0xe] =	wrdreg s24  }
0xe: {  	s5 =	sand.u32 $0x1, s1;
	s6 =	sshll.u32 s0, $0xD;
	[dreg:$0xf] =	wrdreg s25  }
0xf: {  	s18 =	sshll.u32 s0, $0x12;
	s7 =	sshll.u32 s5, $0xC;
	[dreg:$0x10] =	wrdreg s26  }
0x10: {  	s21 =	ssub.s32 $0x2, s5;
	s5 =	sshll.u32 s5, $0x11;
	[dreg:$0x11] =	wrdreg s30  }
0x11: {  	[dreg:$0x12] =	wrdreg s31;
	s13 =	simm.s32 $0x9900;
	s14 =	simm.s32 $0xA100  }
0x12: {  	s15 =	simm.s32 $0xA900;
	s16 =	simm.s32 $0xB100;
	s17 =	simm.s32 $0xB900  }
0x13: {  	s19 =	simm.s32 $0xC900;
	s20 =	simm.s32 $0xD100;
	s22 =	simm.s32 $0xE100  }
0x14: {  	s23 =	simm.s32 $0xE900;
	s24 =	simm.s32 $0xF100;
	s6 =	sor.u32 s7, s6  }
0x15: {  	s25 =	simm.s32 $0xF900;
	s7 =	sshrl.u32 s6, $0x3;
	s6 =	sor.u32 $0x80, s6  }
0x16: {  	s26 =	simm.s32 $0x1;
	s7 =	sadd.s32 s7, s3;
	s6 =	sshrl.u32 s6, $0x3  }
0x17: {  	s8 =	sshrl.u32 s21, $0x1;
	[dreg:$0x3] =	wrdreg s7;
	s3 =	sadd.s32 s6, s3  }
0x18: {  	s7 =	sadd.s32 s18, s4;
	s6 =	ssub.s32 s21, s8;
	s8 =	simm.s32 $0x7900  }
0x19: {  	v2 =	vlaneseq.u32;
	s18 =	simm.s32 $0xC100;
	s21 =	simm.s32 $0xD900;
	[dreg:$0x4] =	wrdreg s3  }
0x1a: {  	vm0 =	vmmov $0xffff;
	v1 =	vshrl.u32 v2, $0x3;
	s3 =	sadd.s32 $0x4600, s4;
	s4 =	smax.u32 s6, $0x1;
	s5 =	sadd.s32 s5, s7  }
0x1b: {  	v0 =	vand.u32 $0x7, v2;
	v2 =	vor.u32 $0x8, v2;
	v1 =	vmul.u32 $0x8, v1;
	s6 =	simm.s32 $0x3;
	s7 =	simm.s32 $0x100;
	s5 =	sadd.s32 $0x84600, s5  }
.LBB2_1:
0x1c: {  	s30 =	smov.u32 s5;
	s31 =	simm.s32 $0x0  }
.LBB2_2:
0x1d: {  	s1 =	rddreg [dreg:$0x3]  }
0x1e: {  	s1 =	sadd.s32 s31, s1  }
0x1f: {  	[tilespmem:s2], [sflag:$0x3] =	stream.linear.gather [hbm4b:s1+s2], $0x80, $0x38;
	[tilespmem:$0x10100] =	vst v63  }
0x20: {  	_ =	swait.ge [sflag:s6], $0x80  }
0x21: {  	[sflag:s6] =	ssyncset.done $0x0  }
0x22: {  	[sflag:s6] =	ssyncadd.s32 $0xFFFFFF80  }
0x23: {  	v3 =	vld [tilespmem:$0x0];
	_ =	sdelay $0x4  }
0x24: {  	v4 =	vshll.u32 v3, $0x1  }
0x25: {  	v3 =	vand.u32 $0x7, v3;
	v4 =	vand.u32 $0xFFFFFFF0, v4  }
0x26: {  	v3 =	vor.u32 v3, v4  }
0x27: {  	v4 =	vperm.xlane v3, v0;
	_ =	sdelay $0x1  }
0x28: {  	v3 =	vperm.xlane v3, v2;
	v4 =	vadd.s32 v1, v4;
	_ =	sdelay $0x1  }
0x29: {  	v3 =	vadd.s32 v1, v3;
	_ =	sdelay $0x2  }
0x2a: {  	[tilespmem:s7], [sflag:$0x1] =	stream.indirect_vreg.gather [hbm4b:s3+s2], $0x80, v4, vm0, $0xb8;
	[tilespmem:$0x10100] =	vst v63  }
0x2b: {  	s0 =	rddreg [dreg:$0x5]  }
0x2c: {  	[tilespmem:s0], [sflag:$0x1] =	stream.indirect_vreg.gather [hbm4b:s3+s2], $0x80, v3, vm0, $0xb8;
	[tilespmem:$0x10100] =	vst v63  }
0x2d: {  	v3 =	vld [tilespmem:$0x10];
	_ =	sdelay $0x4  }
0x2e: {  	v49 =	vshll.u32 v3, $0x1  }
0x2f: {  	v3 =	vand.u32 $0x7, v3;
	v4 =	vand.u32 $0xFFFFFFF0, v49  }
0x30: {  	v3 =	vor.u32 v3, v4  }
0x31: {  	v4 =	vperm.xlane v3, v0;
	_ =	sdelay $0x1  }
0x32: {  	v3 =	vperm.xlane v3, v2;
	v4 =	vadd.s32 v1, v4;
	_ =	sdelay $0x1  }
0x33: {  	v3 =	vadd.s32 v1, v3;
	_ =	sdelay $0x1  }
0x34: {  	s1 =	rddreg [dreg:$0x6]  }
0x35: {  	[tilespmem:s1], [sflag:$0x1] =	stream.indirect_vreg.gather [hbm4b:s3+s2], $0x80, v4, vm0, $0xb8;
	[tilespmem:$0x10100] =	vst v63  }
0x36: {  	s0 =	rddreg [dreg:$0x7]  }
0x37: {  	[tilespmem:s0], [sflag:$0x1] =	stream.indirect_vreg.gather [hbm4b:s3+s2], $0x80, v3, vm0, $0xb8;
	[tilespmem:$0x10100] =	vst v63  }
0x38: {  	v3 =	vld [tilespmem:$0x20];
	_ =	sdelay $0x4  }
0x39: {  	v50 =	vshll.u32 v3, $0x1  }
0x3a: {  	v3 =	vand.u32 $0x7, v3;
	v4 =	vand.u32 $0xFFFFFFF0, v50  }
0x3b: {  	v3 =	vor.u32 v3, v4  }
0x3c: {  	v4 =	vperm.xlane v3, v0;
	_ =	sdelay $0x1  }
0x3d: {  	v3 =	vperm.xlane v3, v2;
	v4 =	vadd.s32 v1, v4;
	_ =	sdelay $0x1  }
0x3e: {  	v3 =	vadd.s32 v1, v3;
	_ =	sdelay $0x1  }
0x3f: {  	s0 =	rddreg [dreg:$0x8]  }
0x40: {  	[tilespmem:s0], [sflag:$0x1] =	stream.indirect_vreg.gather [hbm4b:s3+s2], $0x80, v4, vm0, $0xb8;
	[tilespmem:$0x10100] =	vst v63  }
0x41: {  	s1 =	rddreg [dreg:$0x9]  }
0x42: {  	[tilespmem:s1], [sflag:$0x1] =	stream.indirect_vreg.gather [hbm4b:s3+s2], $0x80, v3, vm0, $0xb8;
	[tilespmem:$0x10100] =	vst v63  }
0x43: {  	v3 =	vld [tilespmem:$0x30];
	_ =	sdelay $0x4  }
0x44: {  	v51 =	vshll.u32 v3, $0x1  }
0x45: {  	v3 =	vand.u32 $0x7, v3;
	v4 =	vand.u32 $0xFFFFFFF0, v51  }
0x46: {  	v3 =	vor.u32 v3, v4  }
0x47: {  	v4 =	vperm.xlane v3, v0;
	_ =	sdelay $0x1  }
0x48: {  	v3 =	vperm.xlane v3, v2;
	v4 =	vadd.s32 v1, v4;
	_ =	sdelay $0x1  }
0x49: {  	v3 =	vadd.s32 v1, v3;
	_ =	sdelay $0x1  }
0x4a: {  	s0 =	rddreg [dreg:$0xa]  }
0x4b: {  	[tilespmem:s0], [sflag:$0x1] =	stream.indirect_vreg.gather [hbm4b:s3+s2], $0x80, v4, vm0, $0xb8;
	[tilespmem:$0x10100] =	vst v63  }
0x4c: {  	s1 =	rddreg [dreg:$0xb]  }
0x4d: {  	[tilespmem:s1], [sflag:$0x1] =	stream.indirect_vreg.gather [hbm4b:s3+s2], $0x80, v3, vm0, $0xb8;
	[tilespmem:$0x10100] =	vst v63  }
0x4e: {  	v3 =	vld [tilespmem:$0x40];
	_ =	sdelay $0x4  }
0x4f: {  	v52 =	vshll.u32 v3, $0x1  }
0x50: {  	v3 =	vand.u32 $0x7, v3;
	v4 =	vand.u32 $0xFFFFFFF0, v52  }
0x51: {  	v3 =	vor.u32 v3, v4  }
0x52: {  	v4 =	vperm.xlane v3, v0;
	_ =	sdelay $0x1  }
0x53: {  	v3 =	vperm.xlane v3, v2;
	v4 =	vadd.s32 v1, v4;
	_ =	sdelay $0x1  }
0x54: {  	v3 =	vadd.s32 v1, v3;
	_ =	sdelay $0x1  }
0x55: {  	s0 =	rddreg [dreg:$0xc]  }
0x56: {  	[tilespmem:s0], [sflag:$0x1] =	stream.indirect_vreg.gather [hbm4b:s3+s2], $0x80, v4, vm0, $0xb8;
	[tilespmem:$0x10100] =	vst v63  }
0x57: {  	s1 =	rddreg [dreg:$0xd]  }
0x58: {  	[tilespmem:s1], [sflag:$0x1] =	stream.indirect_vreg.gather [hbm4b:s3+s2], $0x80, v3, vm0, $0xb8;
	[tilespmem:$0x10100] =	vst v63  }
0x59: {  	v3 =	vld [tilespmem:$0x50];
	_ =	sdelay $0x4  }
0x5a: {  	v53 =	vshll.u32 v3, $0x1  }
0x5b: {  	v3 =	vand.u32 $0x7, v3;
	v4 =	vand.u32 $0xFFFFFFF0, v53  }
0x5c: {  	v3 =	vor.u32 v3, v4  }
0x5d: {  	v4 =	vperm.xlane v3, v0;
	_ =	sdelay $0x1  }
0x5e: {  	v3 =	vperm.xlane v3, v2;
	v4 =	vadd.s32 v1, v4;
	_ =	sdelay $0x1  }
0x5f: {  	v3 =	vadd.s32 v1, v3;
	_ =	sdelay $0x1  }
0x60: {  	s0 =	rddreg [dreg:$0xe]  }
0x61: {  	[tilespmem:s0], [sflag:$0x1] =	stream.indirect_vreg.gather [hbm4b:s3+s2], $0x80, v4, vm0, $0xb8;
	[tilespmem:$0x10100] =	vst v63  }
0x62: {  	s1 =	rddreg [dreg:$0xf]  }
0x63: {  	[tilespmem:s1], [sflag:$0x1] =	stream.indirect_vreg.gather [hbm4b:s3+s2], $0x80, v3, vm0, $0xb8;
	[tilespmem:$0x10100] =	vst v63  }
0x64: {  	v3 =	vld [tilespmem:$0x60];
	_ =	sdelay $0x4  }
0x65: {  	v54 =	vshll.u32 v3, $0x1  }
0x66: {  	v3 =	vand.u32 $0x7, v3;
	v4 =	vand.u32 $0xFFFFFFF0, v54  }
0x67: {  	v3 =	vor.u32 v3, v4  }
0x68: {  	v4 =	vperm.xlane v3, v0;
	_ =	sdelay $0x1  }
0x69: {  	v3 =	vperm.xlane v3, v2;
	v4 =	vadd.s32 v1, v4;
	_ =	sdelay $0x1  }
0x6a: {  	v3 =	vadd.s32 v1, v3;
	_ =	sdelay $0x1  }
0x6b: {  	s0 =	rddreg [dreg:$0x10]  }
0x6c: {  	[tilespmem:s0], [sflag:$0x1] =	stream.indirect_vreg.gather [hbm4b:s3+s2], $0x80, v4, vm0, $0xb8;
	[tilespmem:$0x10100] =	vst v63  }
0x6d: {  	s1 =	rddreg [dreg:$0x11]  }
0x6e: {  	[tilespmem:s1], [sflag:$0x1] =	stream.indirect_vreg.gather [hbm4b:s3+s2], $0x80, v3, vm0, $0xb8;
	[tilespmem:$0x10100] =	vst v63  }
0x6f: {  	v3 =	vld [tilespmem:$0x70];
	_ =	sdelay $0x4  }
0x70: {  	v55 =	vshll.u32 v3, $0x1  }
0x71: {  	v3 =	vand.u32 $0x7, v3;
	v4 =	vand.u32 $0xFFFFFFF0, v55  }
0x72: {  	v3 =	vor.u32 v3, v4  }
0x73: {  	v4 =	vperm.xlane v3, v0;
	_ =	sdelay $0x1  }
0x74: {  	v3 =	vperm.xlane v3, v2;
	v4 =	vadd.s32 v1, v4;
	_ =	sdelay $0x1  }
0x75: {  	v3 =	vadd.s32 v1, v3;
	_ =	sdelay $0x1  }
0x76: {  	s1 =	rddreg [dreg:$0x12]  }
0x77: {  	[tilespmem:s1], [sflag:$0x1] =	stream.indirect_vreg.gather [hbm4b:s3+s2], $0x80, v4, vm0, $0xb8;
	[tilespmem:$0x10100] =	vst v63  }
0x78: {  	s1 =	rddreg [dreg:$0x4]  }
0x79: {  	[tilespmem:s8], [sflag:$0x1] =	stream.indirect_vreg.gather [hbm4b:s3+s2], $0x80, v3, vm0, $0xb8;
	[tilespmem:$0x10100] =	vst v63  }
0x7a: {  	s0 =	sadd.s32 s31, s1  }
0x7b: {  	[tilespmem:s9], [sflag:$0x3] =	stream.linear.gather [hbm4b:s0+s2], $0x80, $0x38;
	[tilespmem:$0x10100] =	vst v63  }
0x7c: {  	_ =	swait.ge [sflag:s6], $0x80  }
0x7d: {  	[sflag:s6] =	ssyncset.done $0x0  }
0x7e: {  	[sflag:s6] =	ssyncadd.s32 $0xFFFFFF80  }
0x7f: {  	v3 =	vld [tilespmem:$0x80];
	_ =	sdelay $0x4  }
0x80: {  	v56 =	vshll.u32 v3, $0x1  }
0x81: {  	v3 =	vand.u32 $0x7, v3;
	v4 =	vand.u32 $0xFFFFFFF0, v56  }
0x82: {  	v3 =	vor.u32 v3, v4  }
0x83: {  	v4 =	vperm.xlane v3, v0;
	_ =	sdelay $0x1  }
0x84: {  	v3 =	vperm.xlane v3, v2;
	v4 =	vadd.s32 v1, v4;
	_ =	sdelay $0x1  }
0x85: {  	v3 =	vadd.s32 v1, v3;
	_ =	sdelay $0x2  }
0x86: {  	[tilespmem:s10], [sflag:$0x2] =	stream.indirect_vreg.gather [hbm4b:s3+s2], $0x80, v4, vm0, $0xb8;
	[tilespmem:$0x10100] =	vst v63  }
0x87: {  	_ = 	snop  }
0x88: {  	[tilespmem:s11], [sflag:$0x2] =	stream.indirect_vreg.gather [hbm4b:s3+s2], $0x80, v3, vm0, $0xb8;
	[tilespmem:$0x10100] =	vst v63  }
0x89: {  	v3 =	vld [tilespmem:$0x90];
	_ =	sdelay $0x4  }
0x8a: {  	v57 =	vshll.u32 v3, $0x1  }
0x8b: {  	v3 =	vand.u32 $0x7, v3;
	v4 =	vand.u32 $0xFFFFFFF0, v57  }
0x8c: {  	v3 =	vor.u32 v3, v4  }
0x8d: {  	v4 =	vperm.xlane v3, v0;
	_ =	sdelay $0x1  }
0x8e: {  	v3 =	vperm.xlane v3, v2;
	v4 =	vadd.s32 v1, v4;
	_ =	sdelay $0x1  }
0x8f: {  	v3 =	vadd.s32 v1, v3;
	_ =	sdelay $0x2  }
0x90: {  	[tilespmem:s12], [sflag:$0x2] =	stream.indirect_vreg.gather [hbm4b:s3+s2], $0x80, v4, vm0, $0xb8;
	[tilespmem:$0x10100] =	vst v63  }
0x91: {  	_ = 	snop  }
0x92: {  	[tilespmem:s13], [sflag:$0x2] =	stream.indirect_vreg.gather [hbm4b:s3+s2], $0x80, v3, vm0, $0xb8;
	[tilespmem:$0x10100] =	vst v63  }
0x93: {  	v3 =	vld [tilespmem:$0xA0];
	_ =	sdelay $0x4  }
0x94: {  	v58 =	vshll.u32 v3, $0x1  }
0x95: {  	v3 =	vand.u32 $0x7, v3;
	v4 =	vand.u32 $0xFFFFFFF0, v58  }
0x96: {  	v3 =	vor.u32 v3, v4  }
0x97: {  	v4 =	vperm.xlane v3, v0;
	_ =	sdelay $0x1  }
0x98: {  	v3 =	vperm.xlane v3, v2;
	v4 =	vadd.s32 v1, v4;
	_ =	sdelay $0x1  }
0x99: {  	v3 =	vadd.s32 v1, v3;
	_ =	sdelay $0x2  }
0x9a: {  	[tilespmem:s14], [sflag:$0x2] =	stream.indirect_vreg.gather [hbm4b:s3+s2], $0x80, v4, vm0, $0xb8;
	[tilespmem:$0x10100] =	vst v63  }
0x9b: {  	_ = 	snop  }
0x9c: {  	[tilespmem:s15], [sflag:$0x2] =	stream.indirect_vreg.gather [hbm4b:s3+s2], $0x80, v3, vm0, $0xb8;
	[tilespmem:$0x10100] =	vst v63  }
0x9d: {  	v3 =	vld [tilespmem:$0xB0];
	_ =	sdelay $0x4  }
0x9e: {  	v59 =	vshll.u32 v3, $0x1  }
0x9f: {  	v3 =	vand.u32 $0x7, v3;
	v4 =	vand.u32 $0xFFFFFFF0, v59  }
0xa0: {  	v3 =	vor.u32 v3, v4  }
0xa1: {  	v4 =	vperm.xlane v3, v0;
	_ =	sdelay $0x1  }
0xa2: {  	v3 =	vperm.xlane v3, v2;
	v4 =	vadd.s32 v1, v4;
	_ =	sdelay $0x1  }
0xa3: {  	v3 =	vadd.s32 v1, v3;
	_ =	sdelay $0x2  }
0xa4: {  	[tilespmem:s16], [sflag:$0x2] =	stream.indirect_vreg.gather [hbm4b:s3+s2], $0x80, v4, vm0, $0xb8;
	[tilespmem:$0x10100] =	vst v63  }
0xa5: {  	_ = 	snop  }
0xa6: {  	[tilespmem:s17], [sflag:$0x2] =	stream.indirect_vreg.gather [hbm4b:s3+s2], $0x80, v3, vm0, $0xb8;
	[tilespmem:$0x10100] =	vst v63  }
0xa7: {  	v3 =	vld [tilespmem:$0xC0];
	_ =	sdelay $0x4  }
0xa8: {  	v60 =	vshll.u32 v3, $0x1  }
0xa9: {  	v3 =	vand.u32 $0x7, v3;
	v4 =	vand.u32 $0xFFFFFFF0, v60  }
0xaa: {  	v3 =	vor.u32 v3, v4  }
0xab: {  	v4 =	vperm.xlane v3, v0;
	_ =	sdelay $0x1  }
0xac: {  	v3 =	vperm.xlane v3, v2;
	v4 =	vadd.s32 v1, v4;
	_ =	sdelay $0x1  }
0xad: {  	v3 =	vadd.s32 v1, v3;
	_ =	sdelay $0x2  }
0xae: {  	[tilespmem:s18], [sflag:$0x2] =	stream.indirect_vreg.gather [hbm4b:s3+s2], $0x80, v4, vm0, $0xb8;
	[tilespmem:$0x10100] =	vst v63  }
0xaf: {  	_ = 	snop  }
0xb0: {  	[tilespmem:s19], [sflag:$0x2] =	stream.indirect_vreg.gather [hbm4b:s3+s2], $0x80, v3, vm0, $0xb8;
	[tilespmem:$0x10100] =	vst v63  }
0xb1: {  	v3 =	vld [tilespmem:$0xD0];
	_ =	sdelay $0x4  }
0xb2: {  	v61 =	vshll.u32 v3, $0x1  }
0xb3: {  	v3 =	vand.u32 $0x7, v3;
	v4 =	vand.u32 $0xFFFFFFF0, v61  }
0xb4: {  	v3 =	vor.u32 v3, v4  }
0xb5: {  	v4 =	vperm.xlane v3, v0;
	_ =	sdelay $0x1  }
0xb6: {  	v3 =	vperm.xlane v3, v2;
	v4 =	vadd.s32 v1, v4;
	_ =	sdelay $0x1  }
0xb7: {  	v3 =	vadd.s32 v1, v3;
	_ =	sdelay $0x2  }
0xb8: {  	[tilespmem:s20], [sflag:$0x2] =	stream.indirect_vreg.gather [hbm4b:s3+s2], $0x80, v4, vm0, $0xb8;
	[tilespmem:$0x10100] =	vst v63  }
0xb9: {  	_ = 	snop  }
0xba: {  	[tilespmem:s21], [sflag:$0x2] =	stream.indirect_vreg.gather [hbm4b:s3+s2], $0x80, v3, vm0, $0xb8;
	[tilespmem:$0x10100] =	vst v63  }
0xbb: {  	v3 =	vld [tilespmem:$0xE0];
	_ =	sdelay $0x4  }
0xbc: {  	v62 =	vshll.u32 v3, $0x1  }
0xbd: {  	v3 =	vand.u32 $0x7, v3;
	v4 =	vand.u32 $0xFFFFFFF0, v62  }
0xbe: {  	v3 =	vor.u32 v3, v4  }
0xbf: {  	v4 =	vperm.xlane v3, v0;
	_ =	sdelay $0x1  }
0xc0: {  	v3 =	vperm.xlane v3, v2;
	v4 =	vadd.s32 v1, v4;
	_ =	sdelay $0x1  }
0xc1: {  	v3 =	vadd.s32 v1, v3;
	_ =	sdelay $0x2  }
0xc2: {  	[tilespmem:s22], [sflag:$0x2] =	stream.indirect_vreg.gather [hbm4b:s3+s2], $0x80, v4, vm0, $0xb8;
	[tilespmem:$0x10100] =	vst v63  }
0xc3: {  	_ = 	snop  }
0xc4: {  	[tilespmem:s23], [sflag:$0x2] =	stream.indirect_vreg.gather [hbm4b:s3+s2], $0x80, v3, vm0, $0xb8;
	[tilespmem:$0x10100] =	vst v63  }
0xc5: {  	v3 =	vld [tilespmem:$0xF0];
	_ =	sdelay $0x4  }
0xc6: {  	v63 =	vshll.u32 v3, $0x1  }
0xc7: {  	v3 =	vand.u32 $0x7, v3;
	v4 =	vand.u32 $0xFFFFFFF0, v63  }
0xc8: {  	v3 =	vor.u32 v3, v4  }
0xc9: {  	v4 =	vperm.xlane v3, v0;
	_ =	sdelay $0x1  }
0xca: {  	v3 =	vperm.xlane v3, v2;
	v4 =	vadd.s32 v1, v4;
	_ =	sdelay $0x1  }
0xcb: {  	v3 =	vadd.s32 v1, v3;
	_ =	sdelay $0x2  }
0xcc: {  	[tilespmem:s24], [sflag:$0x2] =	stream.indirect_vreg.gather [hbm4b:s3+s2], $0x80, v4, vm0, $0xb8;
	[tilespmem:$0x10100] =	vst v63  }
0xcd: {  	_ = 	snop  }
0xce: {  	[tilespmem:s25], [sflag:$0x2] =	stream.indirect_vreg.gather [hbm4b:s3+s2], $0x80, v3, vm0, $0xb8;
	[tilespmem:$0x10100] =	vst v63  }
0xcf: {  	_ =	swait.ge [sflag:s26], $0x8000  }
0xd0: {  	[sflag:s26] =	ssyncset.done $0x0  }
0xd1: {  	[sflag:s26] =	ssyncadd.s32 $0xFFFF8000  }
0xd2: {  	[hbm4b:s30+s2] =	stream.linear.scatter [tilespmem:s7], [sflag:$0x3], $0x8000, $0x38;
	[tilespmem:$0x10100] =	vst v63  }
0xd3: {  	_ =	swait.ge [sflag:s6], $0x8000  }
0xd4: {  	[sflag:s6] =	ssyncset.done $0x0  }
0xd5: {  	[sflag:s6] =	ssyncadd.s32 $0xFFFF8000  }
0xd6: {  	_ =	swait.ge [sflag:s28], $0x8000  }
0xd7: {  	p0 =	sne.s32 s31, $0x1E0;
	[sflag:s28] =	ssyncset.done $0x0  }
.Ltmp0:
0xd8: {  	s1 =	sadd.s32 $0x1000, s30;
	[sflag:s28] =	ssyncadd.s32 $0xFFFF8000;
	(pc) =	sbr.rel @p0 .LBB2_2-.Ltmp0, $4  }
0xd9: {  	[hbm4b:s1+s2] =	stream.linear.scatter [tilespmem:s10], [sflag:$0x3], $0x8000, $0x38;
	[tilespmem:$0x10100] =	vst v63  }
0xda: {  	_ =	swait.ge [sflag:s6], $0x8000  }
0xdb: {  	[sflag:s6] =	ssyncset.done $0x0  }
0xdc: {  	s31 =	sadd.s32 $0x20, s31;
	s30 =	sadd.s32 $0x2000, s30;
	[sflag:s6] =	ssyncadd.s32 $0xFFFF8000  }
0xdd: {  	s29 =	sadd.s32 $0x1, s29  }
0xde: {  	p0 =	sne.s32 s29, s4  }
.Ltmp1:
0xdf: {  	_ = 	snop;
	(pc) =	sbr.rel @p0 .LBB2_1-.Ltmp1, $1  }
0xe0: {  	_ =	sdelay $0x3  }
0xe1: {  	_ =	sfence.sel $0x180000  }
0xe2: {  	[bflag:$0x0] =	sbarrier.arrive $0xFFFF  }
0xe3: {  	_ =	strace $0x90000047  }
0xe4: {  	s0 =	stileid.u32;
	[bflag:$0x2] =	sbarrier.arrive $0xFFFF  }
0xe5: {  	p0 =	sne.s32 s0, $0x0;
	s0 =	rddreg [dreg:$0x2]  }
0xe6: {  	s0 =	sadd.s32 @!p0 $0x100000, s0  }
0xe7: {  	[sflag:s0] =	ssyncadd.tile.s32 @!p0 $0x1;
	_ =	shalt  }
.Lfunc_end2:
_tile_overlayer_lowered:
.L_overlay_start_2:
0xe8: {  	(tag) =	ssettag $0x2  }
0xe9: {  	s0 =	rddreg [dreg:$0x0];
	s2 =	stileid.u32  }
0xea: {  	s1 =	rddreg [dreg:$0x1];
	p0 =	sne.s32 s2, $0x0  }
0xeb: {  	s3 =	rddreg [dreg:$0x2];
	[bflag:$0x3] =	sbarrier.arrive $0xFFFF;
	s2 =	simm.s32 @!p0 $0x1C03  }
0xec: {  	[timem:s3], [sflag:s2] =	dma.local @!p0 [hbm:s0], s1  }
0xed: {  	s0 =	simm.s32 @!p0 $0x3  }
0xee: {  	_ =	swait.ge @!p0 [sflag:s0], s1  }
0xef: {  	s1 =	ssub.s32 @!p0 $0x0, s1;
	[sflag:s0] =	ssyncset.done @!p0 $0x0  }
0xf0: {  	[sflag:s0] =	ssyncadd.s32 @!p0 s1  }
0xf1: {  	[bflag:$0x3] =	sbarrier.arrive $0xFFFF  }
0xf2: {  	_ =	shalt  }

</sc_bundles>
